<compile_context>
chip_gen: v7x
topology: tpu7x:2x2x1
jax: 0.10.2.dev20260603
libtpu: 0.0.44.dev20260713+nightly
codegen_flags: <defaults>
</compile_context>

<pallas_src>
import functools

import jax
import jax.numpy as jnp
from jax import lax
from jax.experimental import pallas as pl
from jax.experimental.pallas import tpu as pltpu
from jax.experimental.pallas import tpu_sc as plsc

N = 10000
E = 320000
N_PAD = 10240
RPT = N_PAD // 16
CHUNK = 128
CPW = 80
E_PAD = 32 * CPW * CHUNK
CPW16 = 160
HALF16 = CPW16 // 2


@functools.cache
def _mesh():
    return plsc.VectorSubcoreMesh(
        core_axis_name="c", subcore_axis_name="s", num_cores=2, num_subcores=16
    )


_SC_PARAMS = pltpu.CompilerParams(use_tc_tiling_on_sc=False)




@functools.cache
def _deg_kernel():
    return functools.partial(
        pl.kernel,
        out_type=jax.ShapeDtypeStruct((2, N_PAD), jnp.float32),
        mesh=_mesh(),
        compiler_params=_SC_PARAMS,
        scratch_types=[
            pltpu.VMEM((CPW, CHUNK), jnp.int32),
            pltpu.VMEM((CHUNK,), jnp.float32),
            pltpu.VMEM_SHARED((N_PAD,), jnp.float32),
        ],
    )(_deg_body)


def _deg_body(dst32_hbm, zeros1_hbm, out_hbm, idx_v, ones_v, acc_sh):
    c = lax.axis_index("c")
    s = lax.axis_index("s")
    wid = s * 2 + c
    pltpu.sync_copy(zeros1_hbm.at[pl.ds(s * RPT, RPT)],
                    acc_sh.at[pl.ds(s * RPT, RPT)])
    for i in range(CHUNK // 16):
        ones_v[pl.ds(i * 16, 16)] = jnp.full((16,), 1.0, jnp.float32)
    pltpu.sync_copy(dst32_hbm.at[wid], idx_v)
    plsc.subcore_barrier()

    def body(j, carry):
        pltpu.sync_copy(ones_v, acc_sh.at[idx_v.at[j]], add=True)
        return carry
    lax.fori_loop(0, CPW, body, 0)

    plsc.subcore_barrier()
    pltpu.sync_copy(acc_sh.at[pl.ds(s * RPT, RPT)],
                    out_hbm.at[c, pl.ds(s * RPT, RPT)])


@functools.cache
def _prop128cs_kernel():
    C = 64
    return functools.partial(
        pl.kernel,
        out_type=jax.ShapeDtypeStruct((2, N_PAD, C), jnp.float32),
        mesh=_mesh(),
        compiler_params=_SC_PARAMS,
        scratch_types=[
            pltpu.VMEM((HALF16, CHUNK), jnp.int32),
            pltpu.VMEM((HALF16, CHUNK), jnp.int32),
            pltpu.VMEM((CHUNK, C), jnp.float32),
            pltpu.VMEM_SHARED((N_PAD, C), jnp.float32),
            pltpu.VMEM_SHARED((N_PAD, C), jnp.float32),
            pltpu.SemaphoreType.DMA,
        ],
    )(_prop128cs_body)


def _prop128cs_body(g_hbm, src16_hbm, dst16_hbm, out_hbm,
                    src_v, dst_v, rows_v, g_sh, acc_sh, sem):
    c = lax.axis_index("c")
    s = lax.axis_index("s")
    sl = pl.ds(s * RPT, RPT)
    pltpu.sync_copy(g_hbm.at[c, sl], g_sh.at[sl])
    pltpu.sync_copy(g_hbm.at[c, sl], acc_sh.at[sl])
    plsc.subcore_barrier()

    for h in range(2):
        pltpu.sync_copy(src16_hbm.at[s, pl.ds(h * HALF16, HALF16)], src_v)
        pltpu.sync_copy(dst16_hbm.at[s, pl.ds(h * HALF16, HALF16)], dst_v)

        def body(j, carry):
            pltpu.async_copy(g_sh.at[src_v.at[j]], rows_v, sem).wait()
            pltpu.sync_copy(rows_v, acc_sh.at[dst_v.at[j]], add=True)
            return carry
        lax.fori_loop(0, HALF16, body, 0)

    plsc.subcore_barrier()
    pltpu.sync_copy(acc_sh.at[sl], out_hbm.at[c, sl])


@functools.cache
def _make_prop_es(C):
    if C == 1:
        row_shape, tab_shape, out_shape = (CHUNK,), (N_PAD,), (2, N_PAD)
    else:
        row_shape, tab_shape, out_shape = (CHUNK, C), (N_PAD, C), (2, N_PAD, C)

    @functools.partial(
        pl.kernel,
        out_type=jax.ShapeDtypeStruct(out_shape, jnp.float32),
        mesh=_mesh(),
        compiler_params=_SC_PARAMS,
        scratch_types=[
            pltpu.VMEM((CPW, CHUNK), jnp.int32),
            pltpu.VMEM((CPW, CHUNK), jnp.int32),
            pltpu.VMEM(row_shape, jnp.float32),
            pltpu.VMEM_SHARED(tab_shape, jnp.float32),
            pltpu.VMEM_SHARED(tab_shape, jnp.float32),
            pltpu.SemaphoreType.DMA,
        ],
    )
    def prop(g_hbm, zeros_hbm, src_hbm, dst_hbm, out_hbm,
             src_v, dst_v, rows_v, g_sh, acc_sh, sem):
        c = lax.axis_index("c")
        s = lax.axis_index("s")
        wid = s * 2 + c
        sl = pl.ds(s * RPT, RPT)

        pltpu.sync_copy(g_hbm.at[sl], g_sh.at[sl])

        @pl.when(c == 0)
        def _():
            pltpu.sync_copy(g_hbm.at[sl], acc_sh.at[sl])

        @pl.when(c == 1)
        def _():
            pltpu.sync_copy(zeros_hbm.at[sl], acc_sh.at[sl])

        pltpu.sync_copy(src_hbm.at[wid], src_v)
        pltpu.sync_copy(dst_hbm.at[wid], dst_v)
        plsc.subcore_barrier()

        def body(j, carry):
            pltpu.async_copy(g_sh.at[src_v.at[j]], rows_v, sem).wait()
            pltpu.sync_copy(rows_v, acc_sh.at[dst_v.at[j]], add=True)
            return carry
        lax.fori_loop(0, CPW, body, 0)

        plsc.subcore_barrier()
        pltpu.sync_copy(acc_sh.at[sl], out_hbm.at[c, sl])

    return prop



_BLK = 1024
_GRID = N_PAD // _BLK


def _k1_body(x_ref, w1_ref, deg_ref, g1_ref, dinv_ref):
    deg = deg_ref[0] + deg_ref[1]
    dinv = lax.rsqrt(deg + 1.0)
    h = jnp.dot(x_ref[...], w1_ref[...], preferred_element_type=jnp.float32)
    g = h * dinv
    g1_ref[0] = g[:, :64]
    g1_ref[1] = g[:, 64:]
    dinv_ref[...] = dinv


def _k2_body(acc_ref, dinv_ref, b1_ref, w2_ref, g2_ref):
    pre = jnp.concatenate([acc_ref[0], acc_ref[1]], axis=-1)
    dinv = dinv_ref[...]
    h1 = jnp.maximum(pre * dinv + b1_ref[...], 0.0)
    g2_ref[...] = jnp.dot(h1, w2_ref[...],
                          preferred_element_type=jnp.float32) * dinv


def _k3_body(acc_ref, dinv_ref, b2_ref, w3_ref, g3_ref):
    pre = acc_ref[0] + acc_ref[1]
    dinv = dinv_ref[...]
    h2 = jnp.maximum(pre * dinv + b2_ref[...], 0.0)
    g3_ref[...] = jnp.dot(h2, w3_ref[...],
                          preferred_element_type=jnp.float32) * dinv


def _k4_body(acc3_ref, dinv_ref, b3_ref, wfc_ref, bfc_ref, out_ref):
    pre = acc3_ref[0] + acc3_ref[1]
    h3 = pre * dinv_ref[...] + b3_ref[...]
    out_ref[...] = h3 * wfc_ref[...] + bfc_ref[...]


def _col_spec():
    return pl.BlockSpec((_BLK, 1), lambda i: (i, 0))


def _col2_spec():
    return pl.BlockSpec((2, _BLK, 1), lambda i: (0, i, 0))


def _full_spec(shape):
    nd = len(shape)
    return pl.BlockSpec(shape, lambda i: (0,) * nd)


def _tc_k1(x_pad, W1, deg2):
    return pl.pallas_call(
        _k1_body,
        grid=(_GRID,),
        in_specs=[
            pl.BlockSpec((_BLK, 128), lambda i: (i, 0)),
            _full_spec((128, 128)),
            _col2_spec(),
        ],
        out_specs=[
            pl.BlockSpec((2, _BLK, 64), lambda i: (0, i, 0)),
            _col_spec(),
        ],
        out_shape=[
            jax.ShapeDtypeStruct((2, N_PAD, 64), jnp.float32),
            jax.ShapeDtypeStruct((N_PAD, 1), jnp.float32),
        ],
    )(x_pad, W1, deg2)


def _tc_k2(acc1, dinv_col, b1, W2):
    return pl.pallas_call(
        _k2_body,
        grid=(_GRID,),
        in_specs=[
            pl.BlockSpec((2, _BLK, 64), lambda i: (0, i, 0)),
            _col_spec(),
            _full_spec((1, 128)),
            _full_spec((128, 64)),
        ],
        out_specs=pl.BlockSpec((_BLK, 64), lambda i: (i, 0)),
        out_shape=jax.ShapeDtypeStruct((N_PAD, 64), jnp.float32),
    )(acc1, dinv_col, b1, W2)


def _tc_k3(acc2, dinv_col, b2, W3):
    return pl.pallas_call(
        _k3_body,
        grid=(_GRID,),
        in_specs=[
            pl.BlockSpec((2, _BLK, 64), lambda i: (0, i, 0)),
            _col_spec(),
            _full_spec((1, 64)),
            _full_spec((64, 1)),
        ],
        out_specs=_col_spec(),
        out_shape=jax.ShapeDtypeStruct((N_PAD, 1), jnp.float32),
    )(acc2, dinv_col, b2, W3)


def _tc_k4(acc3, dinv_col, b3, Wfc, bfc):
    return pl.pallas_call(
        _k4_body,
        grid=(_GRID,),
        in_specs=[
            _col2_spec(),
            _col_spec(),
            _full_spec((1, 1)),
            _full_spec((1, 16)),
            _full_spec((1, 16)),
        ],
        out_specs=pl.BlockSpec((_BLK, 16), lambda i: (i, 0)),
        out_shape=jax.ShapeDtypeStruct((N_PAD, 16), jnp.float32),
    )(acc3, dinv_col, b3, Wfc, bfc)




@jax.jit
def _run(x, edge_index, W1, b1, W2, b2, W3, b3, Wfc, bfc):
    src = edge_index[0]
    dst = edge_index[1]

    pad_dst = N + jnp.arange(E_PAD - E, dtype=jnp.int32) % (N_PAD - N)
    src_flat = jnp.full((E_PAD,), 0, jnp.int32).at[:E].set(src)
    dst_flat = (jnp.zeros((E_PAD,), jnp.int32).at[:E].set(dst)
                .at[E:].set(pad_dst))
    src32 = src_flat.reshape(32, CPW, CHUNK)
    dst32 = dst_flat.reshape(32, CPW, CHUNK)
    src16 = src_flat.reshape(16, CPW16, CHUNK)
    dst16 = dst_flat.reshape(16, CPW16, CHUNK)

    x_pad = jnp.zeros((N_PAD, 128), jnp.float32).at[:N].set(x)
    zeros1 = jnp.zeros((N_PAD,), jnp.float32)
    zeros64 = jnp.zeros((N_PAD, 64), jnp.float32)

    deg2 = _deg_kernel()(dst32, zeros1)

    g1s, dinv_col = _tc_k1(x_pad, W1, deg2.reshape(2, N_PAD, 1))
    acc1 = _prop128cs_kernel()(g1s, src16, dst16)
    g2 = _tc_k2(acc1, dinv_col, b1.reshape(1, 128), W2)
    acc2 = _make_prop_es(64)(g2, zeros64, src32, dst32)
    g3_col = _tc_k3(acc2, dinv_col, b2.reshape(1, 64), W3)
    acc3 = _make_prop_es(1)(g3_col.reshape(N_PAD), zeros1, src32, dst32)
    out = _tc_k4(acc3.reshape(2, N_PAD, 1), dinv_col,
                 b3.reshape(1, 1), Wfc, bfc.reshape(1, 16))
    return out[:N]


def kernel(x, edge_index, W1, b1, W2, b2, W3, b3, Wfc, bfc):
    return _run(x, edge_index, W1, b1, W2, b2, W3, b3, Wfc, bfc)

# --- scband reference (transcript-rebuilt; emitter-appended) ---
"""Pipeline reference for scband-fine-tune-gnn-79834852098287 (READ-ONLY COPY).

The authoritative reference and input builder live on the scoring server;
editing this copy changes nothing except your own understanding.
"""

import jax, jax.numpy as jnp
import numpy as np

N = 10000
E = 320000
IN_C = 128
HID_C = 128
MID_C = 64
OUT_C = 16


def gcn_conv(x, edge_index, W, b):
    n = x.shape[0]
    src = edge_index[0]
    dst = edge_index[1]
    loop = jnp.arange(n, dtype=edge_index.dtype)
    src = jnp.concatenate([src, loop])
    dst = jnp.concatenate([dst, loop])
    deg = jnp.zeros((n,), x.dtype).at[dst].add(1.0)
    dinv = jnp.where(deg > 0, jax.lax.rsqrt(jnp.maximum(deg, 1e-12)), 0.0)
    norm = dinv[src] * dinv[dst]
    h = x @ W
    msg = h[src] * norm[:, None]
    out = jnp.zeros((n, W.shape[1]), x.dtype).at[dst].add(msg)
    return out + b


def setup_inputs(seed: int = 0) -> dict:
    key = jax.random.key(seed)
    ks = jax.random.split(key, 12)
    x = jax.random.normal(ks[0], (N, IN_C), dtype=jnp.float32)
    edge_index = jax.random.randint(ks[1], (2, E), 0, N, dtype=jnp.int32)
    W1 = jax.random.normal(ks[2], (IN_C, HID_C), dtype=jnp.float32) * 0.05
    b1 = jnp.zeros((HID_C,), dtype=jnp.float32)
    W2 = jax.random.normal(ks[3], (HID_C, MID_C), dtype=jnp.float32) * 0.05
    b2 = jnp.zeros((MID_C,), dtype=jnp.float32)
    W3 = jax.random.normal(ks[4], (MID_C, 1), dtype=jnp.float32) * 0.05
    b3 = jnp.zeros((1,), dtype=jnp.float32)
    Wfc = jax.random.normal(ks[5], (1, OUT_C), dtype=jnp.float32) * 0.05
    bfc = jnp.zeros((OUT_C,), dtype=jnp.float32)
    return {"x": x, "edge_index": edge_index, "W1": W1, "b1": b1, "W2": W2, "b2": b2, "W3": W3, "b3": b3, "Wfc": Wfc, "bfc": bfc}


def reference(x, edge_index, W1, b1, W2, b2, W3, b3, Wfc, bfc):
    h = jax.nn.relu(gcn_conv(x, edge_index, W1, b1))
    h = jax.nn.relu(gcn_conv(h, edge_index, W2, b2))
    h = gcn_conv(h, edge_index, W3, b3)
    features = jnp.squeeze(h)[:, None]  # [N] -> [N, 1]
    out = features @ Wfc + bfc
    return out

if __name__ == "__main__":
    import jax
    _d = setup_inputs()
    print(jax.jit(kernel)(*tuple(_d.values())))

</pallas_src>

<mosaic_0001>
#map = affine_map<(d0, d1) -> (0, 0, 0)>
#map1 = affine_map<(d0, d1) -> (0)>
#map2 = affine_map<(d0, d1) -> (0, 0)>
module attributes {stable_mosaic.version = 14 : i64} {
  func.func @_deg_body(%arg0: i32, %arg1: i32, %arg2: memref<32x80x128xi32, #tpu.memory_space<hbm>>, %arg3: memref<10240xf32, #tpu.memory_space<hbm>>, %arg4: memref<2x10240xf32, #tpu.memory_space<hbm>>, %arg5: memref<80x128xi32, #tpu.memory_space<vmem>>, %arg6: memref<128xf32, #tpu.memory_space<vmem>>, %arg7: memref<10240xf32, #tpu.memory_space<vmem_shared>>) attributes {dimension_semantics = [#tpu.dimension_semantics<core_parallel>, #tpu.dimension_semantics<subcore_parallel>], iteration_bounds = array<i64: 2, 16>, scalar_prefetch = 0 : i64, scratch_operands = 3 : i64, tpu.core_type = #tpu.core_type<sc_vector_subcore>, window_params = [{transform_indices = #map}, {transform_indices = #map1}, {transform_indices = #map2}]} {
    %mul3A = arith.constant 2 : i32
    %mul3A_0 = arith.muli %arg1, %mul3A : i32
    %add3A = arith.addi %mul3A_0, %arg0 : i32
    %mul3A_1 = arith.constant 640 : i32
    %mul3A_2 = arith.muli %arg1, %mul3A_1 : i32
    %mul3A_3 = arith.constant 640 : i32
    %mul3A_4 = arith.muli %arg1, %mul3A_3 : i32
    "tpu.region"() ({
      %run_scoped3A = tpu.sem_alloc : memref<!tpu.dma_semaphore, #tpu.memory_space<semaphore_mem>>
      %dma_start3A = tpu.memref_slice %arg7[%mul3A_4] : memref<10240xf32, #tpu.memory_space<vmem_shared>> -> memref<640xf32, #tpu.memory_space<vmem_shared>>
      %dma_start3A_61 = tpu.memref_slice %arg3[%mul3A_2] : memref<10240xf32, #tpu.memory_space<hbm>> -> memref<640xf32, #tpu.memory_space<hbm>>
      tpu.enqueue_dma source(%dma_start3A_61 : memref<640xf32, #tpu.memory_space<hbm>>) target(%dma_start3A : memref<640xf32, #tpu.memory_space<vmem_shared>>) target_semaphore(%run_scoped3A : memref<!tpu.dma_semaphore, #tpu.memory_space<semaphore_mem>>)
      %dma_wait3A = tpu.memref_slice %arg7[%mul3A_4] : memref<10240xf32, #tpu.memory_space<vmem_shared>> -> memref<640xf32, #tpu.memory_space<vmem_shared>>
      %dma_wait3A_62 = tpu.memref_slice %arg3[%mul3A_2] : memref<10240xf32, #tpu.memory_space<hbm>> -> memref<640xf32, #tpu.memory_space<hbm>>
      tpu.wait_dma2 semaphore(%run_scoped3A : memref<!tpu.dma_semaphore, #tpu.memory_space<semaphore_mem>>) src(%dma_wait3A_62 : memref<640xf32, #tpu.memory_space<hbm>>) dst(%dma_wait3A : memref<640xf32, #tpu.memory_space<vmem_shared>>)
      tpu.yield
    }) : () -> ()
    %broadcast_in_dim3A = arith.constant 1.000000e+00 : f32
    %broadcast_in_dim3A_5 = vector.broadcast %broadcast_in_dim3A : f32 to vector<16xf32>
    %swap3A = arith.constant 0 : index
    %swap3A_6 = tpu.vector_load %arg6[%swap3A] {strides = array<i32>} : memref<128xf32, #tpu.memory_space<vmem>>, vector<16xf32>,
    %swap3A_7 = vector.shape_cast %swap3A_6 : vector<16xf32> to vector<16xf32>
    %swap3A_8 = vector.shape_cast %broadcast_in_dim3A_5 : vector<16xf32> to vector<16xf32>
    tpu.vector_store %arg6[%swap3A], %swap3A_8 {strides = array<i32>} : memref<128xf32, #tpu.memory_space<vmem>>, vector<16xf32>,
    %broadcast_in_dim3A_9 = arith.constant 1.000000e+00 : f32
    %broadcast_in_dim3A_10 = vector.broadcast %broadcast_in_dim3A_9 : f32 to vector<16xf32>
    %swap3A_11 = arith.constant 16 : index
    %swap3A_12 = tpu.vector_load %arg6[%swap3A_11] {strides = array<i32>} : memref<128xf32, #tpu.memory_space<vmem>>, vector<16xf32>,
    %swap3A_13 = vector.shape_cast %swap3A_12 : vector<16xf32> to vector<16xf32>
    %swap3A_14 = vector.shape_cast %broadcast_in_dim3A_10 : vector<16xf32> to vector<16xf32>
    tpu.vector_store %arg6[%swap3A_11], %swap3A_14 {strides = array<i32>} : memref<128xf32, #tpu.memory_space<vmem>>, vector<16xf32>,
    %broadcast_in_dim3A_15 = arith.constant 1.000000e+00 : f32
    %broadcast_in_dim3A_16 = vector.broadcast %broadcast_in_dim3A_15 : f32 to vector<16xf32>
    %swap3A_17 = arith.constant 32 : index
    %swap3A_18 = tpu.vector_load %arg6[%swap3A_17] {strides = array<i32>} : memref<128xf32, #tpu.memory_space<vmem>>, vector<16xf32>,
    %swap3A_19 = vector.shape_cast %swap3A_18 : vector<16xf32> to vector<16xf32>
    %swap3A_20 = vector.shape_cast %broadcast_in_dim3A_16 : vector<16xf32> to vector<16xf32>
    tpu.vector_store %arg6[%swap3A_17], %swap3A_20 {strides = array<i32>} : memref<128xf32, #tpu.memory_space<vmem>>, vector<16xf32>,
    %broadcast_in_dim3A_21 = arith.constant 1.000000e+00 : f32
    %broadcast_in_dim3A_22 = vector.broadcast %broadcast_in_dim3A_21 : f32 to vector<16xf32>
    %swap3A_23 = arith.constant 48 : index
    %swap3A_24 = tpu.vector_load %arg6[%swap3A_23] {strides = array<i32>} : memref<128xf32, #tpu.memory_space<vmem>>, vector<16xf32>,
    %swap3A_25 = vector.shape_cast %swap3A_24 : vector<16xf32> to vector<16xf32>
    %swap3A_26 = vector.shape_cast %broadcast_in_dim3A_22 : vector<16xf32> to vector<16xf32>
    tpu.vector_store %arg6[%swap3A_23], %swap3A_26 {strides = array<i32>} : memref<128xf32, #tpu.memory_space<vmem>>, vector<16xf32>,
    %broadcast_in_dim3A_27 = arith.constant 1.000000e+00 : f32
    %broadcast_in_dim3A_28 = vector.broadcast %broadcast_in_dim3A_27 : f32 to vector<16xf32>
    %swap3A_29 = arith.constant 64 : index
    %swap3A_30 = tpu.vector_load %arg6[%swap3A_29] {strides = array<i32>} : memref<128xf32, #tpu.memory_space<vmem>>, vector<16xf32>,
    %swap3A_31 = vector.shape_cast %swap3A_30 : vector<16xf32> to vector<16xf32>
    %swap3A_32 = vector.shape_cast %broadcast_in_dim3A_28 : vector<16xf32> to vector<16xf32>
    tpu.vector_store %arg6[%swap3A_29], %swap3A_32 {strides = array<i32>} : memref<128xf32, #tpu.memory_space<vmem>>, vector<16xf32>,
    %broadcast_in_dim3A_33 = arith.constant 1.000000e+00 : f32
    %broadcast_in_dim3A_34 = vector.broadcast %broadcast_in_dim3A_33 : f32 to vector<16xf32>
    %swap3A_35 = arith.constant 80 : index
    %swap3A_36 = tpu.vector_load %arg6[%swap3A_35] {strides = array<i32>} : memref<128xf32, #tpu.memory_space<vmem>>, vector<16xf32>,
    %swap3A_37 = vector.shape_cast %swap3A_36 : vector<16xf32> to vector<16xf32>
    %swap3A_38 = vector.shape_cast %broadcast_in_dim3A_34 : vector<16xf32> to vector<16xf32>
    tpu.vector_store %arg6[%swap3A_35], %swap3A_38 {strides = array<i32>} : memref<128xf32, #tpu.memory_space<vmem>>, vector<16xf32>,
    %broadcast_in_dim3A_39 = arith.constant 1.000000e+00 : f32
    %broadcast_in_dim3A_40 = vector.broadcast %broadcast_in_dim3A_39 : f32 to vector<16xf32>
    %swap3A_41 = arith.constant 96 : index
    %swap3A_42 = tpu.vector_load %arg6[%swap3A_41] {strides = array<i32>} : memref<128xf32, #tpu.memory_space<vmem>>, vector<16xf32>,
    %swap3A_43 = vector.shape_cast %swap3A_42 : vector<16xf32> to vector<16xf32>
    %swap3A_44 = vector.shape_cast %broadcast_in_dim3A_40 : vector<16xf32> to vector<16xf32>
    tpu.vector_store %arg6[%swap3A_41], %swap3A_44 {strides = array<i32>} : memref<128xf32, #tpu.memory_space<vmem>>, vector<16xf32>,
    %broadcast_in_dim3A_45 = arith.constant 1.000000e+00 : f32
    %broadcast_in_dim3A_46 = vector.broadcast %broadcast_in_dim3A_45 : f32 to vector<16xf32>
    %swap3A_47 = arith.constant 112 : index
    %swap3A_48 = tpu.vector_load %arg6[%swap3A_47] {strides = array<i32>} : memref<128xf32, #tpu.memory_space<vmem>>, vector<16xf32>,
    %swap3A_49 = vector.shape_cast %swap3A_48 : vector<16xf32> to vector<16xf32>
    %swap3A_50 = vector.shape_cast %broadcast_in_dim3A_46 : vector<16xf32> to vector<16xf32>
    tpu.vector_store %arg6[%swap3A_47], %swap3A_50 {strides = array<i32>} : memref<128xf32, #tpu.memory_space<vmem>>, vector<16xf32>,
    "tpu.region"() ({
      %run_scoped3A = tpu.sem_alloc : memref<!tpu.dma_semaphore, #tpu.memory_space<semaphore_mem>>
      %dma_start3A = arith.constant 0 : i32
      %dma_start3A_61 = arith.constant 0 : i32
      %dma_start3A_62 = tpu.memref_slice %arg2[%add3A, %dma_start3A, %dma_start3A_61] : memref<32x80x128xi32, #tpu.memory_space<hbm>> -> memref<1x80x128xi32, #tpu.memory_space<hbm>>
      %dma_start3A_63 = tpu.memref_squeeze %dma_start3A_62 : memref<1x80x128xi32, #tpu.memory_space<hbm>> -> memref<80x128xi32, #tpu.memory_space<hbm>>
      %dma_start3A_64 = arith.constant 0 : i32
      %dma_start3A_65 = arith.constant 0 : i32
      %dma_start3A_66 = tpu.memref_slice %arg2[%add3A, %dma_start3A_64, %dma_start3A_65] : memref<32x80x128xi32, #tpu.memory_space<hbm>> -> memref<1x80x128xi32, #tpu.memory_space<hbm>>
      %dma_start3A_67 = tpu.memref_squeeze %dma_start3A_66 : memref<1x80x128xi32, #tpu.memory_space<hbm>> -> memref<80x128xi32, #tpu.memory_space<hbm>>
      tpu.enqueue_dma source(%dma_start3A_67 : memref<80x128xi32, #tpu.memory_space<hbm>>) target(%arg5 : memref<80x128xi32, #tpu.memory_space<vmem>>) target_semaphore(%run_scoped3A : memref<!tpu.dma_semaphore, #tpu.memory_space<semaphore_mem>>)
      %dma_wait3A = arith.constant 0 : i32
      %dma_wait3A_68 = arith.constant 0 : i32
      %dma_wait3A_69 = tpu.memref_slice %arg2[%add3A, %dma_wait3A, %dma_wait3A_68] : memref<32x80x128xi32, #tpu.memory_space<hbm>> -> memref<1x80x128xi32, #tpu.memory_space<hbm>>
      %dma_wait3A_70 = tpu.memref_squeeze %dma_wait3A_69 : memref<1x80x128xi32, #tpu.memory_space<hbm>> -> memref<80x128xi32, #tpu.memory_space<hbm>>
      %dma_wait3A_71 = arith.constant 0 : i32
      %dma_wait3A_72 = arith.constant 0 : i32
      %dma_wait3A_73 = tpu.memref_slice %arg2[%add3A, %dma_wait3A_71, %dma_wait3A_72] : memref<32x80x128xi32, #tpu.memory_space<hbm>> -> memref<1x80x128xi32, #tpu.memory_space<hbm>>
      %dma_wait3A_74 = tpu.memref_squeeze %dma_wait3A_73 : memref<1x80x128xi32, #tpu.memory_space<hbm>> -> memref<80x128xi32, #tpu.memory_space<hbm>>
      tpu.wait_dma2 semaphore(%run_scoped3A : memref<!tpu.dma_semaphore, #tpu.memory_space<semaphore_mem>>) src(%dma_wait3A_74 : memref<80x128xi32, #tpu.memory_space<hbm>>) dst(%arg5 : memref<80x128xi32, #tpu.memory_space<vmem>>)
      tpu.yield
    }) : () -> ()
    %barrier3A = arith.constant 0 : index
    tpu.barrier barrier_id(%barrier3A)
    %scan3A = arith.constant 0 : i32
    %scan3A_51 = arith.constant 0 : i32
    %scan3A_52 = arith.constant 80 : i32
    %scan3A_53 = arith.addi %scan3A_51, %scan3A_52 : i32
    %scan3A_54 = arith.constant 1 : i32
    scf.for %scan3A_61 = %scan3A_51 to %scan3A_53 step %scan3A_54  : i32 {
      "tpu.region"() ({
        %run_scoped3A = tpu.sem_alloc : memref<!tpu.dma_semaphore, #tpu.memory_space<semaphore_mem>>
        %dma_start3A = arith.constant 0 : i32
        %dma_start3A_62 = tpu.memref_slice %arg5[%scan3A_61, %dma_start3A] : memref<80x128xi32, #tpu.memory_space<vmem>> -> memref<1x128xi32, #tpu.memory_space<vmem>>
        %dma_start3A_63 = tpu.memref_squeeze %dma_start3A_62 : memref<1x128xi32, #tpu.memory_space<vmem>> -> memref<128xi32, #tpu.memory_space<vmem>>
        %dma_start3A_64 = arith.constant 0 : i32
        %dma_start3A_65 = tpu.memref_slice %arg7[%dma_start3A_64] : memref<10240xf32, #tpu.memory_space<vmem_shared>> -> memref<10240xf32, #tpu.memory_space<vmem_shared>>
        tpu.enqueue_indirect_dma source(%arg6 : memref<128xf32, #tpu.memory_space<vmem>>) target(%dma_start3A_65 : memref<10240xf32, #tpu.memory_space<vmem_shared>>) offsets(%dma_start3A_63 : memref<128xi32, #tpu.memory_space<vmem>>) semaphore(%run_scoped3A : memref<!tpu.dma_semaphore, #tpu.memory_space<semaphore_mem>>) {add = true}
        %dma_wait3A = arith.constant 0 : i32
        %dma_wait3A_66 = tpu.memref_slice %arg5[%scan3A_61, %dma_wait3A] : memref<80x128xi32, #tpu.memory_space<vmem>> -> memref<1x128xi32, #tpu.memory_space<vmem>>
        %dma_wait3A_67 = tpu.memref_squeeze %dma_wait3A_66 : memref<1x128xi32, #tpu.memory_space<vmem>> -> memref<128xi32, #tpu.memory_space<vmem>>
        %dma_wait3A_68 = arith.constant 0 : i32
        %dma_wait3A_69 = tpu.memref_slice %arg7[%dma_wait3A_68] : memref<10240xf32, #tpu.memory_space<vmem_shared>> -> memref<10240xf32, #tpu.memory_space<vmem_shared>>
        tpu.wait_indirect_dma semaphore(%run_scoped3A : memref<!tpu.dma_semaphore, #tpu.memory_space<semaphore_mem>>) src(%arg6 : memref<128xf32, #tpu.memory_space<vmem>>) dst(%dma_wait3A_69 : memref<10240xf32, #tpu.memory_space<vmem_shared>>)
        tpu.yield
      }) : () -> ()
    }
    %scan3A_55 = arith.constant 80 : i32
    %barrier3A_56 = arith.constant 0 : index
    tpu.barrier barrier_id(%barrier3A_56)
    %mul3A_57 = arith.constant 640 : i32
    %mul3A_58 = arith.muli %arg1, %mul3A_57 : i32
    %mul3A_59 = arith.constant 640 : i32
    %mul3A_60 = arith.muli %arg1, %mul3A_59 : i32
    "tpu.region"() ({
      %run_scoped3A = tpu.sem_alloc : memref<!tpu.dma_semaphore, #tpu.memory_space<semaphore_mem>>
      %dma_start3A = tpu.memref_slice %arg4[%arg0, %mul3A_60] : memref<2x10240xf32, #tpu.memory_space<hbm>> -> memref<1x640xf32, #tpu.memory_space<hbm>>
      %dma_start3A_61 = tpu.memref_squeeze %dma_start3A : memref<1x640xf32, #tpu.memory_space<hbm>> -> memref<640xf32, #tpu.memory_space<hbm>>
      %dma_start3A_62 = tpu.memref_slice %arg7[%mul3A_58] : memref<10240xf32, #tpu.memory_space<vmem_shared>> -> memref<640xf32, #tpu.memory_space<vmem_shared>>
      tpu.enqueue_dma source(%dma_start3A_62 : memref<640xf32, #tpu.memory_space<vmem_shared>>) target(%dma_start3A_61 : memref<640xf32, #tpu.memory_space<hbm>>) target_semaphore(%run_scoped3A : memref<!tpu.dma_semaphore, #tpu.memory_space<semaphore_mem>>)
      %dma_wait3A = tpu.memref_slice %arg4[%arg0, %mul3A_60] : memref<2x10240xf32, #tpu.memory_space<hbm>> -> memref<1x640xf32, #tpu.memory_space<hbm>>
      %dma_wait3A_63 = tpu.memref_squeeze %dma_wait3A : memref<1x640xf32, #tpu.memory_space<hbm>> -> memref<640xf32, #tpu.memory_space<hbm>>
      %dma_wait3A_64 = tpu.memref_slice %arg7[%mul3A_58] : memref<10240xf32, #tpu.memory_space<vmem_shared>> -> memref<640xf32, #tpu.memory_space<vmem_shared>>
      tpu.wait_dma2 semaphore(%run_scoped3A : memref<!tpu.dma_semaphore, #tpu.memory_space<semaphore_mem>>) src(%dma_wait3A_64 : memref<640xf32, #tpu.memory_space<vmem_shared>>) dst(%dma_wait3A_63 : memref<640xf32, #tpu.memory_space<hbm>>)
      tpu.yield
    }) : () -> ()
    return
  }
}

#map = affine_map<(d0, d1) -> (0, 0, 0)>
module attributes {stable_mosaic.version = 14 : i64} {
  func.func @_prop128cs_body(%arg0: i32, %arg1: i32, %arg2: memref<2x10240x64xf32, #tpu.memory_space<hbm>>, %arg3: memref<16x160x128xi32, #tpu.memory_space<hbm>>, %arg4: memref<16x160x128xi32, #tpu.memory_space<hbm>>, %arg5: memref<2x10240x64xf32, #tpu.memory_space<hbm>>, %arg6: memref<80x128xi32, #tpu.memory_space<vmem>>, %arg7: memref<80x128xi32, #tpu.memory_space<vmem>>, %arg8: memref<128x64xf32, #tpu.memory_space<vmem>>, %arg9: memref<10240x64xf32, #tpu.memory_space<vmem_shared>>, %arg10: memref<10240x64xf32, #tpu.memory_space<vmem_shared>>, %arg11: memref<!tpu.dma_semaphore, #tpu.memory_space<semaphore_mem>>) attributes {dimension_semantics = [#tpu.dimension_semantics<core_parallel>, #tpu.dimension_semantics<subcore_parallel>], iteration_bounds = array<i64: 2, 16>, scalar_prefetch = 0 : i64, scratch_operands = 6 : i64, tpu.core_type = #tpu.core_type<sc_vector_subcore>, window_params = [{transform_indices = #map}, {transform_indices = #map}, {transform_indices = #map}, {transform_indices = #map}]} {
    %mul3A = arith.constant 640 : i32
    %mul3A_0 = arith.muli %arg1, %mul3A : i32
    "tpu.region"() ({
      %run_scoped3A = tpu.sem_alloc : memref<!tpu.dma_semaphore, #tpu.memory_space<semaphore_mem>>
      %dma_start3A = arith.constant 0 : i32
      %dma_start3A_13 = tpu.memref_slice %arg9[%mul3A_0, %dma_start3A] : memref<10240x64xf32, #tpu.memory_space<vmem_shared>> -> memref<640x64xf32, #tpu.memory_space<vmem_shared>>
      %dma_start3A_14 = arith.constant 0 : i32
      %dma_start3A_15 = tpu.memref_slice %arg2[%arg0, %mul3A_0, %dma_start3A_14] : memref<2x10240x64xf32, #tpu.memory_space<hbm>> -> memref<1x640x64xf32, #tpu.memory_space<hbm>>
      %dma_start3A_16 = tpu.memref_squeeze %dma_start3A_15 : memref<1x640x64xf32, #tpu.memory_space<hbm>> -> memref<640x64xf32, #tpu.memory_space<hbm>>
      tpu.enqueue_dma source(%dma_start3A_16 : memref<640x64xf32, #tpu.memory_space<hbm>>) target(%dma_start3A_13 : memref<640x64xf32, #tpu.memory_space<vmem_shared>>) target_semaphore(%run_scoped3A : memref<!tpu.dma_semaphore, #tpu.memory_space<semaphore_mem>>)
      %dma_wait3A = arith.constant 0 : i32
      %dma_wait3A_17 = tpu.memref_slice %arg9[%mul3A_0, %dma_wait3A] : memref<10240x64xf32, #tpu.memory_space<vmem_shared>> -> memref<640x64xf32, #tpu.memory_space<vmem_shared>>
      %dma_wait3A_18 = arith.constant 0 : i32
      %dma_wait3A_19 = tpu.memref_slice %arg2[%arg0, %mul3A_0, %dma_wait3A_18] : memref<2x10240x64xf32, #tpu.memory_space<hbm>> -> memref<1x640x64xf32, #tpu.memory_space<hbm>>
      %dma_wait3A_20 = tpu.memref_squeeze %dma_wait3A_19 : memref<1x640x64xf32, #tpu.memory_space<hbm>> -> memref<640x64xf32, #tpu.memory_space<hbm>>
      tpu.wait_dma2 semaphore(%run_scoped3A : memref<!tpu.dma_semaphore, #tpu.memory_space<semaphore_mem>>) src(%dma_wait3A_20 : memref<640x64xf32, #tpu.memory_space<hbm>>) dst(%dma_wait3A_17 : memref<640x64xf32, #tpu.memory_space<vmem_shared>>)
      tpu.yield
    }) : () -> ()
    "tpu.region"() ({
      %run_scoped3A = tpu.sem_alloc : memref<!tpu.dma_semaphore, #tpu.memory_space<semaphore_mem>>
      %dma_start3A = arith.constant 0 : i32
      %dma_start3A_13 = tpu.memref_slice %arg10[%mul3A_0, %dma_start3A] : memref<10240x64xf32, #tpu.memory_space<vmem_shared>> -> memref<640x64xf32, #tpu.memory_space<vmem_shared>>
      %dma_start3A_14 = arith.constant 0 : i32
      %dma_start3A_15 = tpu.memref_slice %arg2[%arg0, %mul3A_0, %dma_start3A_14] : memref<2x10240x64xf32, #tpu.memory_space<hbm>> -> memref<1x640x64xf32, #tpu.memory_space<hbm>>
      %dma_start3A_16 = tpu.memref_squeeze %dma_start3A_15 : memref<1x640x64xf32, #tpu.memory_space<hbm>> -> memref<640x64xf32, #tpu.memory_space<hbm>>
      tpu.enqueue_dma source(%dma_start3A_16 : memref<640x64xf32, #tpu.memory_space<hbm>>) target(%dma_start3A_13 : memref<640x64xf32, #tpu.memory_space<vmem_shared>>) target_semaphore(%run_scoped3A : memref<!tpu.dma_semaphore, #tpu.memory_space<semaphore_mem>>)
      %dma_wait3A = arith.constant 0 : i32
      %dma_wait3A_17 = tpu.memref_slice %arg10[%mul3A_0, %dma_wait3A] : memref<10240x64xf32, #tpu.memory_space<vmem_shared>> -> memref<640x64xf32, #tpu.memory_space<vmem_shared>>
      %dma_wait3A_18 = arith.constant 0 : i32
      %dma_wait3A_19 = tpu.memref_slice %arg2[%arg0, %mul3A_0, %dma_wait3A_18] : memref<2x10240x64xf32, #tpu.memory_space<hbm>> -> memref<1x640x64xf32, #tpu.memory_space<hbm>>
      %dma_wait3A_20 = tpu.memref_squeeze %dma_wait3A_19 : memref<1x640x64xf32, #tpu.memory_space<hbm>> -> memref<640x64xf32, #tpu.memory_space<hbm>>
      tpu.wait_dma2 semaphore(%run_scoped3A : memref<!tpu.dma_semaphore, #tpu.memory_space<semaphore_mem>>) src(%dma_wait3A_20 : memref<640x64xf32, #tpu.memory_space<hbm>>) dst(%dma_wait3A_17 : memref<640x64xf32, #tpu.memory_space<vmem_shared>>)
      tpu.yield
    }) : () -> ()
    %barrier3A = arith.constant 0 : index
    tpu.barrier barrier_id(%barrier3A)
    "tpu.region"() ({
      %run_scoped3A = tpu.sem_alloc : memref<!tpu.dma_semaphore, #tpu.memory_space<semaphore_mem>>
      %dma_start3A = arith.constant 0 : i32
      %dma_start3A_13 = arith.constant 0 : i32
      %dma_start3A_14 = tpu.memref_slice %arg3[%arg1, %dma_start3A, %dma_start3A_13] : memref<16x160x128xi32, #tpu.memory_space<hbm>> -> memref<1x80x128xi32, #tpu.memory_space<hbm>>
      %dma_start3A_15 = tpu.memref_squeeze %dma_start3A_14 : memref<1x80x128xi32, #tpu.memory_space<hbm>> -> memref<80x128xi32, #tpu.memory_space<hbm>>
      %dma_start3A_16 = arith.constant 0 : i32
      %dma_start3A_17 = arith.constant 0 : i32
      %dma_start3A_18 = tpu.memref_slice %arg3[%arg1, %dma_start3A_16, %dma_start3A_17] : memref<16x160x128xi32, #tpu.memory_space<hbm>> -> memref<1x80x128xi32, #tpu.memory_space<hbm>>
      %dma_start3A_19 = tpu.memref_squeeze %dma_start3A_18 : memref<1x80x128xi32, #tpu.memory_space<hbm>> -> memref<80x128xi32, #tpu.memory_space<hbm>>
      tpu.enqueue_dma source(%dma_start3A_19 : memref<80x128xi32, #tpu.memory_space<hbm>>) target(%arg6 : memref<80x128xi32, #tpu.memory_space<vmem>>) target_semaphore(%run_scoped3A : memref<!tpu.dma_semaphore, #tpu.memory_space<semaphore_mem>>)
      %dma_wait3A = arith.constant 0 : i32
      %dma_wait3A_20 = arith.constant 0 : i32
      %dma_wait3A_21 = tpu.memref_slice %arg3[%arg1, %dma_wait3A, %dma_wait3A_20] : memref<16x160x128xi32, #tpu.memory_space<hbm>> -> memref<1x80x128xi32, #tpu.memory_space<hbm>>
      %dma_wait3A_22 = tpu.memref_squeeze %dma_wait3A_21 : memref<1x80x128xi32, #tpu.memory_space<hbm>> -> memref<80x128xi32, #tpu.memory_space<hbm>>
      %dma_wait3A_23 = arith.constant 0 : i32
      %dma_wait3A_24 = arith.constant 0 : i32
      %dma_wait3A_25 = tpu.memref_slice %arg3[%arg1, %dma_wait3A_23, %dma_wait3A_24] : memref<16x160x128xi32, #tpu.memory_space<hbm>> -> memref<1x80x128xi32, #tpu.memory_space<hbm>>
      %dma_wait3A_26 = tpu.memref_squeeze %dma_wait3A_25 : memref<1x80x128xi32, #tpu.memory_space<hbm>> -> memref<80x128xi32, #tpu.memory_space<hbm>>
      tpu.wait_dma2 semaphore(%run_scoped3A : memref<!tpu.dma_semaphore, #tpu.memory_space<semaphore_mem>>) src(%dma_wait3A_26 : memref<80x128xi32, #tpu.memory_space<hbm>>) dst(%arg6 : memref<80x128xi32, #tpu.memory_space<vmem>>)
      tpu.yield
    }) : () -> ()
    "tpu.region"() ({
      %run_scoped3A = tpu.sem_alloc : memref<!tpu.dma_semaphore, #tpu.memory_space<semaphore_mem>>
      %dma_start3A = arith.constant 0 : i32
      %dma_start3A_13 = arith.constant 0 : i32
      %dma_start3A_14 = tpu.memref_slice %arg4[%arg1, %dma_start3A, %dma_start3A_13] : memref<16x160x128xi32, #tpu.memory_space<hbm>> -> memref<1x80x128xi32, #tpu.memory_space<hbm>>
      %dma_start3A_15 = tpu.memref_squeeze %dma_start3A_14 : memref<1x80x128xi32, #tpu.memory_space<hbm>> -> memref<80x128xi32, #tpu.memory_space<hbm>>
      %dma_start3A_16 = arith.constant 0 : i32
      %dma_start3A_17 = arith.constant 0 : i32
      %dma_start3A_18 = tpu.memref_slice %arg4[%arg1, %dma_start3A_16, %dma_start3A_17] : memref<16x160x128xi32, #tpu.memory_space<hbm>> -> memref<1x80x128xi32, #tpu.memory_space<hbm>>
      %dma_start3A_19 = tpu.memref_squeeze %dma_start3A_18 : memref<1x80x128xi32, #tpu.memory_space<hbm>> -> memref<80x128xi32, #tpu.memory_space<hbm>>
      tpu.enqueue_dma source(%dma_start3A_19 : memref<80x128xi32, #tpu.memory_space<hbm>>) target(%arg7 : memref<80x128xi32, #tpu.memory_space<vmem>>) target_semaphore(%run_scoped3A : memref<!tpu.dma_semaphore, #tpu.memory_space<semaphore_mem>>)
      %dma_wait3A = arith.constant 0 : i32
      %dma_wait3A_20 = arith.constant 0 : i32
      %dma_wait3A_21 = tpu.memref_slice %arg4[%arg1, %dma_wait3A, %dma_wait3A_20] : memref<16x160x128xi32, #tpu.memory_space<hbm>> -> memref<1x80x128xi32, #tpu.memory_space<hbm>>
      %dma_wait3A_22 = tpu.memref_squeeze %dma_wait3A_21 : memref<1x80x128xi32, #tpu.memory_space<hbm>> -> memref<80x128xi32, #tpu.memory_space<hbm>>
      %dma_wait3A_23 = arith.constant 0 : i32
      %dma_wait3A_24 = arith.constant 0 : i32
      %dma_wait3A_25 = tpu.memref_slice %arg4[%arg1, %dma_wait3A_23, %dma_wait3A_24] : memref<16x160x128xi32, #tpu.memory_space<hbm>> -> memref<1x80x128xi32, #tpu.memory_space<hbm>>
      %dma_wait3A_26 = tpu.memref_squeeze %dma_wait3A_25 : memref<1x80x128xi32, #tpu.memory_space<hbm>> -> memref<80x128xi32, #tpu.memory_space<hbm>>
      tpu.wait_dma2 semaphore(%run_scoped3A : memref<!tpu.dma_semaphore, #tpu.memory_space<semaphore_mem>>) src(%dma_wait3A_26 : memref<80x128xi32, #tpu.memory_space<hbm>>) dst(%arg7 : memref<80x128xi32, #tpu.memory_space<vmem>>)
      tpu.yield
    }) : () -> ()
    %scan3A = arith.constant 0 : i32
    %scan3A_1 = arith.constant 0 : i32
    %scan3A_2 = arith.constant 80 : i32
    %scan3A_3 = arith.addi %scan3A_1, %scan3A_2 : i32
    %scan3A_4 = arith.constant 1 : i32
    scf.for %scan3A_13 = %scan3A_1 to %scan3A_3 step %scan3A_4  : i32 {
      %dma_start3A = arith.constant 0 : i32
      %dma_start3A_14 = tpu.memref_slice %arg6[%scan3A_13, %dma_start3A] : memref<80x128xi32, #tpu.memory_space<vmem>> -> memref<1x128xi32, #tpu.memory_space<vmem>>
      %dma_start3A_15 = tpu.memref_squeeze %dma_start3A_14 : memref<1x128xi32, #tpu.memory_space<vmem>> -> memref<128xi32, #tpu.memory_space<vmem>>
      %dma_start3A_16 = arith.constant 0 : i32
      %dma_start3A_17 = arith.constant 0 : i32
      %dma_start3A_18 = tpu.memref_slice %arg9[%dma_start3A_16, %dma_start3A_17] : memref<10240x64xf32, #tpu.memory_space<vmem_shared>> -> memref<10240x64xf32, #tpu.memory_space<vmem_shared>>
      tpu.enqueue_indirect_dma source(%dma_start3A_18 : memref<10240x64xf32, #tpu.memory_space<vmem_shared>>) target(%arg8 : memref<128x64xf32, #tpu.memory_space<vmem>>) offsets(%dma_start3A_15 : memref<128xi32, #tpu.memory_space<vmem>>) semaphore(%arg11 : memref<!tpu.dma_semaphore, #tpu.memory_space<semaphore_mem>>)
      %dma_wait3A = arith.constant 0 : i32
      %dma_wait3A_19 = tpu.memref_slice %arg6[%scan3A_13, %dma_wait3A] : memref<80x128xi32, #tpu.memory_space<vmem>> -> memref<1x128xi32, #tpu.memory_space<vmem>>
      %dma_wait3A_20 = tpu.memref_squeeze %dma_wait3A_19 : memref<1x128xi32, #tpu.memory_space<vmem>> -> memref<128xi32, #tpu.memory_space<vmem>>
      %dma_wait3A_21 = arith.constant 0 : i32
      %dma_wait3A_22 = arith.constant 0 : i32
      %dma_wait3A_23 = tpu.memref_slice %arg9[%dma_wait3A_21, %dma_wait3A_22] : memref<10240x64xf32, #tpu.memory_space<vmem_shared>> -> memref<10240x64xf32, #tpu.memory_space<vmem_shared>>
      tpu.wait_indirect_dma semaphore(%arg11 : memref<!tpu.dma_semaphore, #tpu.memory_space<semaphore_mem>>) src(%dma_wait3A_23 : memref<10240x64xf32, #tpu.memory_space<vmem_shared>>) dst(%arg8 : memref<128x64xf32, #tpu.memory_space<vmem>>)
      "tpu.region"() ({
        %run_scoped3A = tpu.sem_alloc : memref<!tpu.dma_semaphore, #tpu.memory_space<semaphore_mem>>
        %dma_start3A_24 = arith.constant 0 : i32
        %dma_start3A_25 = tpu.memref_slice %arg7[%scan3A_13, %dma_start3A_24] : memref<80x128xi32, #tpu.memory_space<vmem>> -> memref<1x128xi32, #tpu.memory_space<vmem>>
        %dma_start3A_26 = tpu.memref_squeeze %dma_start3A_25 : memref<1x128xi32, #tpu.memory_space<vmem>> -> memref<128xi32, #tpu.memory_space<vmem>>
        %dma_start3A_27 = arith.constant 0 : i32
        %dma_start3A_28 = arith.constant 0 : i32
        %dma_start3A_29 = tpu.memref_slice %arg10[%dma_start3A_27, %dma_start3A_28] : memref<10240x64xf32, #tpu.memory_space<vmem_shared>> -> memref<10240x64xf32, #tpu.memory_space<vmem_shared>>
        tpu.enqueue_indirect_dma source(%arg8 : memref<128x64xf32, #tpu.memory_space<vmem>>) target(%dma_start3A_29 : memref<10240x64xf32, #tpu.memory_space<vmem_shared>>) offsets(%dma_start3A_26 : memref<128xi32, #tpu.memory_space<vmem>>) semaphore(%run_scoped3A : memref<!tpu.dma_semaphore, #tpu.memory_space<semaphore_mem>>) {add = true}
        %dma_wait3A_30 = arith.constant 0 : i32
        %dma_wait3A_31 = tpu.memref_slice %arg7[%scan3A_13, %dma_wait3A_30] : memref<80x128xi32, #tpu.memory_space<vmem>> -> memref<1x128xi32, #tpu.memory_space<vmem>>
        %dma_wait3A_32 = tpu.memref_squeeze %dma_wait3A_31 : memref<1x128xi32, #tpu.memory_space<vmem>> -> memref<128xi32, #tpu.memory_space<vmem>>
        %dma_wait3A_33 = arith.constant 0 : i32
        %dma_wait3A_34 = arith.constant 0 : i32
        %dma_wait3A_35 = tpu.memref_slice %arg10[%dma_wait3A_33, %dma_wait3A_34] : memref<10240x64xf32, #tpu.memory_space<vmem_shared>> -> memref<10240x64xf32, #tpu.memory_space<vmem_shared>>
        tpu.wait_indirect_dma semaphore(%run_scoped3A : memref<!tpu.dma_semaphore, #tpu.memory_space<semaphore_mem>>) src(%arg8 : memref<128x64xf32, #tpu.memory_space<vmem>>) dst(%dma_wait3A_35 : memref<10240x64xf32, #tpu.memory_space<vmem_shared>>)
        tpu.yield
      }) : () -> ()
    }
    %scan3A_5 = arith.constant 80 : i32
    "tpu.region"() ({
      %run_scoped3A = tpu.sem_alloc : memref<!tpu.dma_semaphore, #tpu.memory_space<semaphore_mem>>
      %dma_start3A = arith.constant 80 : i32
      %dma_start3A_13 = arith.constant 0 : i32
      %dma_start3A_14 = tpu.memref_slice %arg3[%arg1, %dma_start3A, %dma_start3A_13] : memref<16x160x128xi32, #tpu.memory_space<hbm>> -> memref<1x80x128xi32, #tpu.memory_space<hbm>>
      %dma_start3A_15 = tpu.memref_squeeze %dma_start3A_14 : memref<1x80x128xi32, #tpu.memory_space<hbm>> -> memref<80x128xi32, #tpu.memory_space<hbm>>
      %dma_start3A_16 = arith.constant 80 : i32
      %dma_start3A_17 = arith.constant 0 : i32
      %dma_start3A_18 = tpu.memref_slice %arg3[%arg1, %dma_start3A_16, %dma_start3A_17] : memref<16x160x128xi32, #tpu.memory_space<hbm>> -> memref<1x80x128xi32, #tpu.memory_space<hbm>>
      %dma_start3A_19 = tpu.memref_squeeze %dma_start3A_18 : memref<1x80x128xi32, #tpu.memory_space<hbm>> -> memref<80x128xi32, #tpu.memory_space<hbm>>
      tpu.enqueue_dma source(%dma_start3A_19 : memref<80x128xi32, #tpu.memory_space<hbm>>) target(%arg6 : memref<80x128xi32, #tpu.memory_space<vmem>>) target_semaphore(%run_scoped3A : memref<!tpu.dma_semaphore, #tpu.memory_space<semaphore_mem>>)
      %dma_wait3A = arith.constant 80 : i32
      %dma_wait3A_20 = arith.constant 0 : i32
      %dma_wait3A_21 = tpu.memref_slice %arg3[%arg1, %dma_wait3A, %dma_wait3A_20] : memref<16x160x128xi32, #tpu.memory_space<hbm>> -> memref<1x80x128xi32, #tpu.memory_space<hbm>>
      %dma_wait3A_22 = tpu.memref_squeeze %dma_wait3A_21 : memref<1x80x128xi32, #tpu.memory_space<hbm>> -> memref<80x128xi32, #tpu.memory_space<hbm>>
      %dma_wait3A_23 = arith.constant 80 : i32
      %dma_wait3A_24 = arith.constant 0 : i32
      %dma_wait3A_25 = tpu.memref_slice %arg3[%arg1, %dma_wait3A_23, %dma_wait3A_24] : memref<16x160x128xi32, #tpu.memory_space<hbm>> -> memref<1x80x128xi32, #tpu.memory_space<hbm>>
      %dma_wait3A_26 = tpu.memref_squeeze %dma_wait3A_25 : memref<1x80x128xi32, #tpu.memory_space<hbm>> -> memref<80x128xi32, #tpu.memory_space<hbm>>
      tpu.wait_dma2 semaphore(%run_scoped3A : memref<!tpu.dma_semaphore, #tpu.memory_space<semaphore_mem>>) src(%dma_wait3A_26 : memref<80x128xi32, #tpu.memory_space<hbm>>) dst(%arg6 : memref<80x128xi32, #tpu.memory_space<vmem>>)
      tpu.yield
    }) : () -> ()
    "tpu.region"() ({
      %run_scoped3A = tpu.sem_alloc : memref<!tpu.dma_semaphore, #tpu.memory_space<semaphore_mem>>
      %dma_start3A = arith.constant 80 : i32
      %dma_start3A_13 = arith.constant 0 : i32
      %dma_start3A_14 = tpu.memref_slice %arg4[%arg1, %dma_start3A, %dma_start3A_13] : memref<16x160x128xi32, #tpu.memory_space<hbm>> -> memref<1x80x128xi32, #tpu.memory_space<hbm>>
      %dma_start3A_15 = tpu.memref_squeeze %dma_start3A_14 : memref<1x80x128xi32, #tpu.memory_space<hbm>> -> memref<80x128xi32, #tpu.memory_space<hbm>>
      %dma_start3A_16 = arith.constant 80 : i32
      %dma_start3A_17 = arith.constant 0 : i32
      %dma_start3A_18 = tpu.memref_slice %arg4[%arg1, %dma_start3A_16, %dma_start3A_17] : memref<16x160x128xi32, #tpu.memory_space<hbm>> -> memref<1x80x128xi32, #tpu.memory_space<hbm>>
      %dma_start3A_19 = tpu.memref_squeeze %dma_start3A_18 : memref<1x80x128xi32, #tpu.memory_space<hbm>> -> memref<80x128xi32, #tpu.memory_space<hbm>>
      tpu.enqueue_dma source(%dma_start3A_19 : memref<80x128xi32, #tpu.memory_space<hbm>>) target(%arg7 : memref<80x128xi32, #tpu.memory_space<vmem>>) target_semaphore(%run_scoped3A : memref<!tpu.dma_semaphore, #tpu.memory_space<semaphore_mem>>)
      %dma_wait3A = arith.constant 80 : i32
      %dma_wait3A_20 = arith.constant 0 : i32
      %dma_wait3A_21 = tpu.memref_slice %arg4[%arg1, %dma_wait3A, %dma_wait3A_20] : memref<16x160x128xi32, #tpu.memory_space<hbm>> -> memref<1x80x128xi32, #tpu.memory_space<hbm>>
      %dma_wait3A_22 = tpu.memref_squeeze %dma_wait3A_21 : memref<1x80x128xi32, #tpu.memory_space<hbm>> -> memref<80x128xi32, #tpu.memory_space<hbm>>
      %dma_wait3A_23 = arith.constant 80 : i32
      %dma_wait3A_24 = arith.constant 0 : i32
      %dma_wait3A_25 = tpu.memref_slice %arg4[%arg1, %dma_wait3A_23, %dma_wait3A_24] : memref<16x160x128xi32, #tpu.memory_space<hbm>> -> memref<1x80x128xi32, #tpu.memory_space<hbm>>
      %dma_wait3A_26 = tpu.memref_squeeze %dma_wait3A_25 : memref<1x80x128xi32, #tpu.memory_space<hbm>> -> memref<80x128xi32, #tpu.memory_space<hbm>>
      tpu.wait_dma2 semaphore(%run_scoped3A : memref<!tpu.dma_semaphore, #tpu.memory_space<semaphore_mem>>) src(%dma_wait3A_26 : memref<80x128xi32, #tpu.memory_space<hbm>>) dst(%arg7 : memref<80x128xi32, #tpu.memory_space<vmem>>)
      tpu.yield
    }) : () -> ()
    %scan3A_6 = arith.constant 0 : i32
    %scan3A_7 = arith.constant 0 : i32
    %scan3A_8 = arith.constant 80 : i32
    %scan3A_9 = arith.addi %scan3A_7, %scan3A_8 : i32
    %scan3A_10 = arith.constant 1 : i32
    scf.for %scan3A_13 = %scan3A_7 to %scan3A_9 step %scan3A_10  : i32 {
      %dma_start3A = arith.constant 0 : i32
      %dma_start3A_14 = tpu.memref_slice %arg6[%scan3A_13, %dma_start3A] : memref<80x128xi32, #tpu.memory_space<vmem>> -> memref<1x128xi32, #tpu.memory_space<vmem>>
      %dma_start3A_15 = tpu.memref_squeeze %dma_start3A_14 : memref<1x128xi32, #tpu.memory_space<vmem>> -> memref<128xi32, #tpu.memory_space<vmem>>
      %dma_start3A_16 = arith.constant 0 : i32
      %dma_start3A_17 = arith.constant 0 : i32
      %dma_start3A_18 = tpu.memref_slice %arg9[%dma_start3A_16, %dma_start3A_17] : memref<10240x64xf32, #tpu.memory_space<vmem_shared>> -> memref<10240x64xf32, #tpu.memory_space<vmem_shared>>
      tpu.enqueue_indirect_dma source(%dma_start3A_18 : memref<10240x64xf32, #tpu.memory_space<vmem_shared>>) target(%arg8 : memref<128x64xf32, #tpu.memory_space<vmem>>) offsets(%dma_start3A_15 : memref<128xi32, #tpu.memory_space<vmem>>) semaphore(%arg11 : memref<!tpu.dma_semaphore, #tpu.memory_space<semaphore_mem>>)
      %dma_wait3A = arith.constant 0 : i32
      %dma_wait3A_19 = tpu.memref_slice %arg6[%scan3A_13, %dma_wait3A] : memref<80x128xi32, #tpu.memory_space<vmem>> -> memref<1x128xi32, #tpu.memory_space<vmem>>
      %dma_wait3A_20 = tpu.memref_squeeze %dma_wait3A_19 : memref<1x128xi32, #tpu.memory_space<vmem>> -> memref<128xi32, #tpu.memory_space<vmem>>
      %dma_wait3A_21 = arith.constant 0 : i32
      %dma_wait3A_22 = arith.constant 0 : i32
      %dma_wait3A_23 = tpu.memref_slice %arg9[%dma_wait3A_21, %dma_wait3A_22] : memref<10240x64xf32, #tpu.memory_space<vmem_shared>> -> memref<10240x64xf32, #tpu.memory_space<vmem_shared>>
      tpu.wait_indirect_dma semaphore(%arg11 : memref<!tpu.dma_semaphore, #tpu.memory_space<semaphore_mem>>) src(%dma_wait3A_23 : memref<10240x64xf32, #tpu.memory_space<vmem_shared>>) dst(%arg8 : memref<128x64xf32, #tpu.memory_space<vmem>>)
      "tpu.region"() ({
        %run_scoped3A = tpu.sem_alloc : memref<!tpu.dma_semaphore, #tpu.memory_space<semaphore_mem>>
        %dma_start3A_24 = arith.constant 0 : i32
        %dma_start3A_25 = tpu.memref_slice %arg7[%scan3A_13, %dma_start3A_24] : memref<80x128xi32, #tpu.memory_space<vmem>> -> memref<1x128xi32, #tpu.memory_space<vmem>>
        %dma_start3A_26 = tpu.memref_squeeze %dma_start3A_25 : memref<1x128xi32, #tpu.memory_space<vmem>> -> memref<128xi32, #tpu.memory_space<vmem>>
        %dma_start3A_27 = arith.constant 0 : i32
        %dma_start3A_28 = arith.constant 0 : i32
        %dma_start3A_29 = tpu.memref_slice %arg10[%dma_start3A_27, %dma_start3A_28] : memref<10240x64xf32, #tpu.memory_space<vmem_shared>> -> memref<10240x64xf32, #tpu.memory_space<vmem_shared>>
        tpu.enqueue_indirect_dma source(%arg8 : memref<128x64xf32, #tpu.memory_space<vmem>>) target(%dma_start3A_29 : memref<10240x64xf32, #tpu.memory_space<vmem_shared>>) offsets(%dma_start3A_26 : memref<128xi32, #tpu.memory_space<vmem>>) semaphore(%run_scoped3A : memref<!tpu.dma_semaphore, #tpu.memory_space<semaphore_mem>>) {add = true}
        %dma_wait3A_30 = arith.constant 0 : i32
        %dma_wait3A_31 = tpu.memref_slice %arg7[%scan3A_13, %dma_wait3A_30] : memref<80x128xi32, #tpu.memory_space<vmem>> -> memref<1x128xi32, #tpu.memory_space<vmem>>
        %dma_wait3A_32 = tpu.memref_squeeze %dma_wait3A_31 : memref<1x128xi32, #tpu.memory_space<vmem>> -> memref<128xi32, #tpu.memory_space<vmem>>
        %dma_wait3A_33 = arith.constant 0 : i32
        %dma_wait3A_34 = arith.constant 0 : i32
        %dma_wait3A_35 = tpu.memref_slice %arg10[%dma_wait3A_33, %dma_wait3A_34] : memref<10240x64xf32, #tpu.memory_space<vmem_shared>> -> memref<10240x64xf32, #tpu.memory_space<vmem_shared>>
        tpu.wait_indirect_dma semaphore(%run_scoped3A : memref<!tpu.dma_semaphore, #tpu.memory_space<semaphore_mem>>) src(%arg8 : memref<128x64xf32, #tpu.memory_space<vmem>>) dst(%dma_wait3A_35 : memref<10240x64xf32, #tpu.memory_space<vmem_shared>>)
        tpu.yield
      }) : () -> ()
    }
    %scan3A_11 = arith.constant 80 : i32
    %barrier3A_12 = arith.constant 0 : index
    tpu.barrier barrier_id(%barrier3A_12)
    "tpu.region"() ({
      %run_scoped3A = tpu.sem_alloc : memref<!tpu.dma_semaphore, #tpu.memory_space<semaphore_mem>>
      %dma_start3A = arith.constant 0 : i32
      %dma_start3A_13 = tpu.memref_slice %arg5[%arg0, %mul3A_0, %dma_start3A] : memref<2x10240x64xf32, #tpu.memory_space<hbm>> -> memref<1x640x64xf32, #tpu.memory_space<hbm>>
      %dma_start3A_14 = tpu.memref_squeeze %dma_start3A_13 : memref<1x640x64xf32, #tpu.memory_space<hbm>> -> memref<640x64xf32, #tpu.memory_space<hbm>>
      %dma_start3A_15 = arith.constant 0 : i32
      %dma_start3A_16 = tpu.memref_slice %arg10[%mul3A_0, %dma_start3A_15] : memref<10240x64xf32, #tpu.memory_space<vmem_shared>> -> memref<640x64xf32, #tpu.memory_space<vmem_shared>>
      tpu.enqueue_dma source(%dma_start3A_16 : memref<640x64xf32, #tpu.memory_space<vmem_shared>>) target(%dma_start3A_14 : memref<640x64xf32, #tpu.memory_space<hbm>>) target_semaphore(%run_scoped3A : memref<!tpu.dma_semaphore, #tpu.memory_space<semaphore_mem>>)
      %dma_wait3A = arith.constant 0 : i32
      %dma_wait3A_17 = tpu.memref_slice %arg5[%arg0, %mul3A_0, %dma_wait3A] : memref<2x10240x64xf32, #tpu.memory_space<hbm>> -> memref<1x640x64xf32, #tpu.memory_space<hbm>>
      %dma_wait3A_18 = tpu.memref_squeeze %dma_wait3A_17 : memref<1x640x64xf32, #tpu.memory_space<hbm>> -> memref<640x64xf32, #tpu.memory_space<hbm>>
      %dma_wait3A_19 = arith.constant 0 : i32
      %dma_wait3A_20 = tpu.memref_slice %arg10[%mul3A_0, %dma_wait3A_19] : memref<10240x64xf32, #tpu.memory_space<vmem_shared>> -> memref<640x64xf32, #tpu.memory_space<vmem_shared>>
      tpu.wait_dma2 semaphore(%run_scoped3A : memref<!tpu.dma_semaphore, #tpu.memory_space<semaphore_mem>>) src(%dma_wait3A_20 : memref<640x64xf32, #tpu.memory_space<vmem_shared>>) dst(%dma_wait3A_18 : memref<640x64xf32, #tpu.memory_space<hbm>>)
      tpu.yield
    }) : () -> ()
    return
  }
}

#map = affine_map<(d0, d1) -> (0, 0)>
#map1 = affine_map<(d0, d1) -> (0, 0, 0)>
module attributes {stable_mosaic.version = 14 : i64} {
  func.func @prop(%arg0: i32, %arg1: i32, %arg2: memref<10240x64xf32, #tpu.memory_space<hbm>>, %arg3: memref<10240x64xf32, #tpu.memory_space<hbm>>, %arg4: memref<32x80x128xi32, #tpu.memory_space<hbm>>, %arg5: memref<32x80x128xi32, #tpu.memory_space<hbm>>, %arg6: memref<2x10240x64xf32, #tpu.memory_space<hbm>>, %arg7: memref<80x128xi32, #tpu.memory_space<vmem>>, %arg8: memref<80x128xi32, #tpu.memory_space<vmem>>, %arg9: memref<128x64xf32, #tpu.memory_space<vmem>>, %arg10: memref<10240x64xf32, #tpu.memory_space<vmem_shared>>, %arg11: memref<10240x64xf32, #tpu.memory_space<vmem_shared>>, %arg12: memref<!tpu.dma_semaphore, #tpu.memory_space<semaphore_mem>>) attributes {dimension_semantics = [#tpu.dimension_semantics<core_parallel>, #tpu.dimension_semantics<subcore_parallel>], iteration_bounds = array<i64: 2, 16>, scalar_prefetch = 0 : i64, scratch_operands = 6 : i64, tpu.core_type = #tpu.core_type<sc_vector_subcore>, window_params = [{transform_indices = #map}, {transform_indices = #map}, {transform_indices = #map1}, {transform_indices = #map1}, {transform_indices = #map1}]} {
    %mul3A = arith.constant 2 : i32
    %mul3A_0 = arith.muli %arg1, %mul3A : i32
    %add3A = arith.addi %mul3A_0, %arg0 : i32
    %mul3A_1 = arith.constant 640 : i32
    %mul3A_2 = arith.muli %arg1, %mul3A_1 : i32
    "tpu.region"() ({
      %run_scoped3A = tpu.sem_alloc : memref<!tpu.dma_semaphore, #tpu.memory_space<semaphore_mem>>
      %dma_start3A = arith.constant 0 : i32
      %dma_start3A_16 = tpu.memref_slice %arg10[%mul3A_2, %dma_start3A] : memref<10240x64xf32, #tpu.memory_space<vmem_shared>> -> memref<640x64xf32, #tpu.memory_space<vmem_shared>>
      %dma_start3A_17 = arith.constant 0 : i32
      %dma_start3A_18 = tpu.memref_slice %arg2[%mul3A_2, %dma_start3A_17] : memref<10240x64xf32, #tpu.memory_space<hbm>> -> memref<640x64xf32, #tpu.memory_space<hbm>>
      tpu.enqueue_dma source(%dma_start3A_18 : memref<640x64xf32, #tpu.memory_space<hbm>>) target(%dma_start3A_16 : memref<640x64xf32, #tpu.memory_space<vmem_shared>>) target_semaphore(%run_scoped3A : memref<!tpu.dma_semaphore, #tpu.memory_space<semaphore_mem>>)
      %dma_wait3A = arith.constant 0 : i32
      %dma_wait3A_19 = tpu.memref_slice %arg10[%mul3A_2, %dma_wait3A] : memref<10240x64xf32, #tpu.memory_space<vmem_shared>> -> memref<640x64xf32, #tpu.memory_space<vmem_shared>>
      %dma_wait3A_20 = arith.constant 0 : i32
      %dma_wait3A_21 = tpu.memref_slice %arg2[%mul3A_2, %dma_wait3A_20] : memref<10240x64xf32, #tpu.memory_space<hbm>> -> memref<640x64xf32, #tpu.memory_space<hbm>>
      tpu.wait_dma2 semaphore(%run_scoped3A : memref<!tpu.dma_semaphore, #tpu.memory_space<semaphore_mem>>) src(%dma_wait3A_21 : memref<640x64xf32, #tpu.memory_space<hbm>>) dst(%dma_wait3A_19 : memref<640x64xf32, #tpu.memory_space<vmem_shared>>)
      tpu.yield
    }) : () -> ()
    %eq3A = arith.constant 0 : i32
    %eq3A_3 = arith.cmpi eq, %arg0, %eq3A : i32
    %convert_element_type3A = arith.extui %eq3A_3 : i1 to i32
    %cond3A = arith.constant 0 : i32
    %cond3A_4 = arith.cmpi ne, %convert_element_type3A, %cond3A : i32
    scf.if %cond3A_4 {
      "tpu.region"() ({
        %run_scoped3A = tpu.sem_alloc : memref<!tpu.dma_semaphore, #tpu.memory_space<semaphore_mem>>
        %dma_start3A = arith.constant 0 : i32
        %dma_start3A_16 = tpu.memref_slice %arg11[%mul3A_2, %dma_start3A] : memref<10240x64xf32, #tpu.memory_space<vmem_shared>> -> memref<640x64xf32, #tpu.memory_space<vmem_shared>>
        %dma_start3A_17 = arith.constant 0 : i32
        %dma_start3A_18 = tpu.memref_slice %arg2[%mul3A_2, %dma_start3A_17] : memref<10240x64xf32, #tpu.memory_space<hbm>> -> memref<640x64xf32, #tpu.memory_space<hbm>>
        tpu.enqueue_dma source(%dma_start3A_18 : memref<640x64xf32, #tpu.memory_space<hbm>>) target(%dma_start3A_16 : memref<640x64xf32, #tpu.memory_space<vmem_shared>>) target_semaphore(%run_scoped3A : memref<!tpu.dma_semaphore, #tpu.memory_space<semaphore_mem>>)
        %dma_wait3A = arith.constant 0 : i32
        %dma_wait3A_19 = tpu.memref_slice %arg11[%mul3A_2, %dma_wait3A] : memref<10240x64xf32, #tpu.memory_space<vmem_shared>> -> memref<640x64xf32, #tpu.memory_space<vmem_shared>>
        %dma_wait3A_20 = arith.constant 0 : i32
        %dma_wait3A_21 = tpu.memref_slice %arg2[%mul3A_2, %dma_wait3A_20] : memref<10240x64xf32, #tpu.memory_space<hbm>> -> memref<640x64xf32, #tpu.memory_space<hbm>>
        tpu.wait_dma2 semaphore(%run_scoped3A : memref<!tpu.dma_semaphore, #tpu.memory_space<semaphore_mem>>) src(%dma_wait3A_21 : memref<640x64xf32, #tpu.memory_space<hbm>>) dst(%dma_wait3A_19 : memref<640x64xf32, #tpu.memory_space<vmem_shared>>)
        tpu.yield
      }) : () -> ()
    } else {
    }
    %eq3A_5 = arith.constant 1 : i32
    %eq3A_6 = arith.cmpi eq, %arg0, %eq3A_5 : i32
    %convert_element_type3A_7 = arith.extui %eq3A_6 : i1 to i32
    %cond3A_8 = arith.constant 0 : i32
    %cond3A_9 = arith.cmpi ne, %convert_element_type3A_7, %cond3A_8 : i32
    scf.if %cond3A_9 {
      "tpu.region"() ({
        %run_scoped3A = tpu.sem_alloc : memref<!tpu.dma_semaphore, #tpu.memory_space<semaphore_mem>>
        %dma_start3A = arith.constant 0 : i32
        %dma_start3A_16 = tpu.memref_slice %arg11[%mul3A_2, %dma_start3A] : memref<10240x64xf32, #tpu.memory_space<vmem_shared>> -> memref<640x64xf32, #tpu.memory_space<vmem_shared>>
        %dma_start3A_17 = arith.constant 0 : i32
        %dma_start3A_18 = tpu.memref_slice %arg3[%mul3A_2, %dma_start3A_17] : memref<10240x64xf32, #tpu.memory_space<hbm>> -> memref<640x64xf32, #tpu.memory_space<hbm>>
        tpu.enqueue_dma source(%dma_start3A_18 : memref<640x64xf32, #tpu.memory_space<hbm>>) target(%dma_start3A_16 : memref<640x64xf32, #tpu.memory_space<vmem_shared>>) target_semaphore(%run_scoped3A : memref<!tpu.dma_semaphore, #tpu.memory_space<semaphore_mem>>)
        %dma_wait3A = arith.constant 0 : i32
        %dma_wait3A_19 = tpu.memref_slice %arg11[%mul3A_2, %dma_wait3A] : memref<10240x64xf32, #tpu.memory_space<vmem_shared>> -> memref<640x64xf32, #tpu.memory_space<vmem_shared>>
        %dma_wait3A_20 = arith.constant 0 : i32
        %dma_wait3A_21 = tpu.memref_slice %arg3[%mul3A_2, %dma_wait3A_20] : memref<10240x64xf32, #tpu.memory_space<hbm>> -> memref<640x64xf32, #tpu.memory_space<hbm>>
        tpu.wait_dma2 semaphore(%run_scoped3A : memref<!tpu.dma_semaphore, #tpu.memory_space<semaphore_mem>>) src(%dma_wait3A_21 : memref<640x64xf32, #tpu.memory_space<hbm>>) dst(%dma_wait3A_19 : memref<640x64xf32, #tpu.memory_space<vmem_shared>>)
        tpu.yield
      }) : () -> ()
    } else {
    }
    "tpu.region"() ({
      %run_scoped3A = tpu.sem_alloc : memref<!tpu.dma_semaphore, #tpu.memory_space<semaphore_mem>>
      %dma_start3A = arith.constant 0 : i32
      %dma_start3A_16 = arith.constant 0 : i32
      %dma_start3A_17 = tpu.memref_slice %arg4[%add3A, %dma_start3A, %dma_start3A_16] : memref<32x80x128xi32, #tpu.memory_space<hbm>> -> memref<1x80x128xi32, #tpu.memory_space<hbm>>
      %dma_start3A_18 = tpu.memref_squeeze %dma_start3A_17 : memref<1x80x128xi32, #tpu.memory_space<hbm>> -> memref<80x128xi32, #tpu.memory_space<hbm>>
      %dma_start3A_19 = arith.constant 0 : i32
      %dma_start3A_20 = arith.constant 0 : i32
      %dma_start3A_21 = tpu.memref_slice %arg4[%add3A, %dma_start3A_19, %dma_start3A_20] : memref<32x80x128xi32, #tpu.memory_space<hbm>> -> memref<1x80x128xi32, #tpu.memory_space<hbm>>
      %dma_start3A_22 = tpu.memref_squeeze %dma_start3A_21 : memref<1x80x128xi32, #tpu.memory_space<hbm>> -> memref<80x128xi32, #tpu.memory_space<hbm>>
      tpu.enqueue_dma source(%dma_start3A_22 : memref<80x128xi32, #tpu.memory_space<hbm>>) target(%arg7 : memref<80x128xi32, #tpu.memory_space<vmem>>) target_semaphore(%run_scoped3A : memref<!tpu.dma_semaphore, #tpu.memory_space<semaphore_mem>>)
      %dma_wait3A = arith.constant 0 : i32
      %dma_wait3A_23 = arith.constant 0 : i32
      %dma_wait3A_24 = tpu.memref_slice %arg4[%add3A, %dma_wait3A, %dma_wait3A_23] : memref<32x80x128xi32, #tpu.memory_space<hbm>> -> memref<1x80x128xi32, #tpu.memory_space<hbm>>
      %dma_wait3A_25 = tpu.memref_squeeze %dma_wait3A_24 : memref<1x80x128xi32, #tpu.memory_space<hbm>> -> memref<80x128xi32, #tpu.memory_space<hbm>>
      %dma_wait3A_26 = arith.constant 0 : i32
      %dma_wait3A_27 = arith.constant 0 : i32
      %dma_wait3A_28 = tpu.memref_slice %arg4[%add3A, %dma_wait3A_26, %dma_wait3A_27] : memref<32x80x128xi32, #tpu.memory_space<hbm>> -> memref<1x80x128xi32, #tpu.memory_space<hbm>>
      %dma_wait3A_29 = tpu.memref_squeeze %dma_wait3A_28 : memref<1x80x128xi32, #tpu.memory_space<hbm>> -> memref<80x128xi32, #tpu.memory_space<hbm>>
      tpu.wait_dma2 semaphore(%run_scoped3A : memref<!tpu.dma_semaphore, #tpu.memory_space<semaphore_mem>>) src(%dma_wait3A_29 : memref<80x128xi32, #tpu.memory_space<hbm>>) dst(%arg7 : memref<80x128xi32, #tpu.memory_space<vmem>>)
      tpu.yield
    }) : () -> ()
    "tpu.region"() ({
      %run_scoped3A = tpu.sem_alloc : memref<!tpu.dma_semaphore, #tpu.memory_space<semaphore_mem>>
      %dma_start3A = arith.constant 0 : i32
      %dma_start3A_16 = arith.constant 0 : i32
      %dma_start3A_17 = tpu.memref_slice %arg5[%add3A, %dma_start3A, %dma_start3A_16] : memref<32x80x128xi32, #tpu.memory_space<hbm>> -> memref<1x80x128xi32, #tpu.memory_space<hbm>>
      %dma_start3A_18 = tpu.memref_squeeze %dma_start3A_17 : memref<1x80x128xi32, #tpu.memory_space<hbm>> -> memref<80x128xi32, #tpu.memory_space<hbm>>
      %dma_start3A_19 = arith.constant 0 : i32
      %dma_start3A_20 = arith.constant 0 : i32
      %dma_start3A_21 = tpu.memref_slice %arg5[%add3A, %dma_start3A_19, %dma_start3A_20] : memref<32x80x128xi32, #tpu.memory_space<hbm>> -> memref<1x80x128xi32, #tpu.memory_space<hbm>>
      %dma_start3A_22 = tpu.memref_squeeze %dma_start3A_21 : memref<1x80x128xi32, #tpu.memory_space<hbm>> -> memref<80x128xi32, #tpu.memory_space<hbm>>
      tpu.enqueue_dma source(%dma_start3A_22 : memref<80x128xi32, #tpu.memory_space<hbm>>) target(%arg8 : memref<80x128xi32, #tpu.memory_space<vmem>>) target_semaphore(%run_scoped3A : memref<!tpu.dma_semaphore, #tpu.memory_space<semaphore_mem>>)
      %dma_wait3A = arith.constant 0 : i32
      %dma_wait3A_23 = arith.constant 0 : i32
      %dma_wait3A_24 = tpu.memref_slice %arg5[%add3A, %dma_wait3A, %dma_wait3A_23] : memref<32x80x128xi32, #tpu.memory_space<hbm>> -> memref<1x80x128xi32, #tpu.memory_space<hbm>>
      %dma_wait3A_25 = tpu.memref_squeeze %dma_wait3A_24 : memref<1x80x128xi32, #tpu.memory_space<hbm>> -> memref<80x128xi32, #tpu.memory_space<hbm>>
      %dma_wait3A_26 = arith.constant 0 : i32
      %dma_wait3A_27 = arith.constant 0 : i32
      %dma_wait3A_28 = tpu.memref_slice %arg5[%add3A, %dma_wait3A_26, %dma_wait3A_27] : memref<32x80x128xi32, #tpu.memory_space<hbm>> -> memref<1x80x128xi32, #tpu.memory_space<hbm>>
      %dma_wait3A_29 = tpu.memref_squeeze %dma_wait3A_28 : memref<1x80x128xi32, #tpu.memory_space<hbm>> -> memref<80x128xi32, #tpu.memory_space<hbm>>
      tpu.wait_dma2 semaphore(%run_scoped3A : memref<!tpu.dma_semaphore, #tpu.memory_space<semaphore_mem>>) src(%dma_wait3A_29 : memref<80x128xi32, #tpu.memory_space<hbm>>) dst(%arg8 : memref<80x128xi32, #tpu.memory_space<vmem>>)
      tpu.yield
    }) : () -> ()
    %barrier3A = arith.constant 0 : index
    tpu.barrier barrier_id(%barrier3A)
    %scan3A = arith.constant 0 : i32
    %scan3A_10 = arith.constant 0 : i32
    %scan3A_11 = arith.constant 80 : i32
    %scan3A_12 = arith.addi %scan3A_10, %scan3A_11 : i32
    %scan3A_13 = arith.constant 1 : i32
    scf.for %scan3A_16 = %scan3A_10 to %scan3A_12 step %scan3A_13  : i32 {
      %dma_start3A = arith.constant 0 : i32
      %dma_start3A_17 = tpu.memref_slice %arg7[%scan3A_16, %dma_start3A] : memref<80x128xi32, #tpu.memory_space<vmem>> -> memref<1x128xi32, #tpu.memory_space<vmem>>
      %dma_start3A_18 = tpu.memref_squeeze %dma_start3A_17 : memref<1x128xi32, #tpu.memory_space<vmem>> -> memref<128xi32, #tpu.memory_space<vmem>>
      %dma_start3A_19 = arith.constant 0 : i32
      %dma_start3A_20 = arith.constant 0 : i32
      %dma_start3A_21 = tpu.memref_slice %arg10[%dma_start3A_19, %dma_start3A_20] : memref<10240x64xf32, #tpu.memory_space<vmem_shared>> -> memref<10240x64xf32, #tpu.memory_space<vmem_shared>>
      tpu.enqueue_indirect_dma source(%dma_start3A_21 : memref<10240x64xf32, #tpu.memory_space<vmem_shared>>) target(%arg9 : memref<128x64xf32, #tpu.memory_space<vmem>>) offsets(%dma_start3A_18 : memref<128xi32, #tpu.memory_space<vmem>>) semaphore(%arg12 : memref<!tpu.dma_semaphore, #tpu.memory_space<semaphore_mem>>)
      %dma_wait3A = arith.constant 0 : i32
      %dma_wait3A_22 = tpu.memref_slice %arg7[%scan3A_16, %dma_wait3A] : memref<80x128xi32, #tpu.memory_space<vmem>> -> memref<1x128xi32, #tpu.memory_space<vmem>>
      %dma_wait3A_23 = tpu.memref_squeeze %dma_wait3A_22 : memref<1x128xi32, #tpu.memory_space<vmem>> -> memref<128xi32, #tpu.memory_space<vmem>>
      %dma_wait3A_24 = arith.constant 0 : i32
      %dma_wait3A_25 = arith.constant 0 : i32
      %dma_wait3A_26 = tpu.memref_slice %arg10[%dma_wait3A_24, %dma_wait3A_25] : memref<10240x64xf32, #tpu.memory_space<vmem_shared>> -> memref<10240x64xf32, #tpu.memory_space<vmem_shared>>
      tpu.wait_indirect_dma semaphore(%arg12 : memref<!tpu.dma_semaphore, #tpu.memory_space<semaphore_mem>>) src(%dma_wait3A_26 : memref<10240x64xf32, #tpu.memory_space<vmem_shared>>) dst(%arg9 : memref<128x64xf32, #tpu.memory_space<vmem>>)
      "tpu.region"() ({
        %run_scoped3A = tpu.sem_alloc : memref<!tpu.dma_semaphore, #tpu.memory_space<semaphore_mem>>
        %dma_start3A_27 = arith.constant 0 : i32
        %dma_start3A_28 = tpu.memref_slice %arg8[%scan3A_16, %dma_start3A_27] : memref<80x128xi32, #tpu.memory_space<vmem>> -> memref<1x128xi32, #tpu.memory_space<vmem>>
        %dma_start3A_29 = tpu.memref_squeeze %dma_start3A_28 : memref<1x128xi32, #tpu.memory_space<vmem>> -> memref<128xi32, #tpu.memory_space<vmem>>
        %dma_start3A_30 = arith.constant 0 : i32
        %dma_start3A_31 = arith.constant 0 : i32
        %dma_start3A_32 = tpu.memref_slice %arg11[%dma_start3A_30, %dma_start3A_31] : memref<10240x64xf32, #tpu.memory_space<vmem_shared>> -> memref<10240x64xf32, #tpu.memory_space<vmem_shared>>
        tpu.enqueue_indirect_dma source(%arg9 : memref<128x64xf32, #tpu.memory_space<vmem>>) target(%dma_start3A_32 : memref<10240x64xf32, #tpu.memory_space<vmem_shared>>) offsets(%dma_start3A_29 : memref<128xi32, #tpu.memory_space<vmem>>) semaphore(%run_scoped3A : memref<!tpu.dma_semaphore, #tpu.memory_space<semaphore_mem>>) {add = true}
        %dma_wait3A_33 = arith.constant 0 : i32
        %dma_wait3A_34 = tpu.memref_slice %arg8[%scan3A_16, %dma_wait3A_33] : memref<80x128xi32, #tpu.memory_space<vmem>> -> memref<1x128xi32, #tpu.memory_space<vmem>>
        %dma_wait3A_35 = tpu.memref_squeeze %dma_wait3A_34 : memref<1x128xi32, #tpu.memory_space<vmem>> -> memref<128xi32, #tpu.memory_space<vmem>>
        %dma_wait3A_36 = arith.constant 0 : i32
        %dma_wait3A_37 = arith.constant 0 : i32
        %dma_wait3A_38 = tpu.memref_slice %arg11[%dma_wait3A_36, %dma_wait3A_37] : memref<10240x64xf32, #tpu.memory_space<vmem_shared>> -> memref<10240x64xf32, #tpu.memory_space<vmem_shared>>
        tpu.wait_indirect_dma semaphore(%run_scoped3A : memref<!tpu.dma_semaphore, #tpu.memory_space<semaphore_mem>>) src(%arg9 : memref<128x64xf32, #tpu.memory_space<vmem>>) dst(%dma_wait3A_38 : memref<10240x64xf32, #tpu.memory_space<vmem_shared>>)
        tpu.yield
      }) : () -> ()
    }
    %scan3A_14 = arith.constant 80 : i32
    %barrier3A_15 = arith.constant 0 : index
    tpu.barrier barrier_id(%barrier3A_15)
    "tpu.region"() ({
      %run_scoped3A = tpu.sem_alloc : memref<!tpu.dma_semaphore, #tpu.memory_space<semaphore_mem>>
      %dma_start3A = arith.constant 0 : i32
      %dma_start3A_16 = tpu.memref_slice %arg6[%arg0, %mul3A_2, %dma_start3A] : memref<2x10240x64xf32, #tpu.memory_space<hbm>> -> memref<1x640x64xf32, #tpu.memory_space<hbm>>
      %dma_start3A_17 = tpu.memref_squeeze %dma_start3A_16 : memref<1x640x64xf32, #tpu.memory_space<hbm>> -> memref<640x64xf32, #tpu.memory_space<hbm>>
      %dma_start3A_18 = arith.constant 0 : i32
      %dma_start3A_19 = tpu.memref_slice %arg11[%mul3A_2, %dma_start3A_18] : memref<10240x64xf32, #tpu.memory_space<vmem_shared>> -> memref<640x64xf32, #tpu.memory_space<vmem_shared>>
      tpu.enqueue_dma source(%dma_start3A_19 : memref<640x64xf32, #tpu.memory_space<vmem_shared>>) target(%dma_start3A_17 : memref<640x64xf32, #tpu.memory_space<hbm>>) target_semaphore(%run_scoped3A : memref<!tpu.dma_semaphore, #tpu.memory_space<semaphore_mem>>)
      %dma_wait3A = arith.constant 0 : i32
      %dma_wait3A_20 = tpu.memref_slice %arg6[%arg0, %mul3A_2, %dma_wait3A] : memref<2x10240x64xf32, #tpu.memory_space<hbm>> -> memref<1x640x64xf32, #tpu.memory_space<hbm>>
      %dma_wait3A_21 = tpu.memref_squeeze %dma_wait3A_20 : memref<1x640x64xf32, #tpu.memory_space<hbm>> -> memref<640x64xf32, #tpu.memory_space<hbm>>
      %dma_wait3A_22 = arith.constant 0 : i32
      %dma_wait3A_23 = tpu.memref_slice %arg11[%mul3A_2, %dma_wait3A_22] : memref<10240x64xf32, #tpu.memory_space<vmem_shared>> -> memref<640x64xf32, #tpu.memory_space<vmem_shared>>
      tpu.wait_dma2 semaphore(%run_scoped3A : memref<!tpu.dma_semaphore, #tpu.memory_space<semaphore_mem>>) src(%dma_wait3A_23 : memref<640x64xf32, #tpu.memory_space<vmem_shared>>) dst(%dma_wait3A_21 : memref<640x64xf32, #tpu.memory_space<hbm>>)
      tpu.yield
    }) : () -> ()
    return
  }
}

#map = affine_map<(d0, d1) -> (0)>
#map1 = affine_map<(d0, d1) -> (0, 0, 0)>
#map2 = affine_map<(d0, d1) -> (0, 0)>
module attributes {stable_mosaic.version = 14 : i64} {
  func.func @prop(%arg0: i32, %arg1: i32, %arg2: memref<10240xf32, #tpu.memory_space<hbm>>, %arg3: memref<10240xf32, #tpu.memory_space<hbm>>, %arg4: memref<32x80x128xi32, #tpu.memory_space<hbm>>, %arg5: memref<32x80x128xi32, #tpu.memory_space<hbm>>, %arg6: memref<2x10240xf32, #tpu.memory_space<hbm>>, %arg7: memref<80x128xi32, #tpu.memory_space<vmem>>, %arg8: memref<80x128xi32, #tpu.memory_space<vmem>>, %arg9: memref<128xf32, #tpu.memory_space<vmem>>, %arg10: memref<10240xf32, #tpu.memory_space<vmem_shared>>, %arg11: memref<10240xf32, #tpu.memory_space<vmem_shared>>, %arg12: memref<!tpu.dma_semaphore, #tpu.memory_space<semaphore_mem>>) attributes {dimension_semantics = [#tpu.dimension_semantics<core_parallel>, #tpu.dimension_semantics<subcore_parallel>], iteration_bounds = array<i64: 2, 16>, scalar_prefetch = 0 : i64, scratch_operands = 6 : i64, tpu.core_type = #tpu.core_type<sc_vector_subcore>, window_params = [{transform_indices = #map}, {transform_indices = #map}, {transform_indices = #map1}, {transform_indices = #map1}, {transform_indices = #map2}]} {
    %mul3A = arith.constant 2 : i32
    %mul3A_0 = arith.muli %arg1, %mul3A : i32
    %add3A = arith.addi %mul3A_0, %arg0 : i32
    %mul3A_1 = arith.constant 640 : i32
    %mul3A_2 = arith.muli %arg1, %mul3A_1 : i32
    "tpu.region"() ({
      %run_scoped3A = tpu.sem_alloc : memref<!tpu.dma_semaphore, #tpu.memory_space<semaphore_mem>>
      %dma_start3A = tpu.memref_slice %arg10[%mul3A_2] : memref<10240xf32, #tpu.memory_space<vmem_shared>> -> memref<640xf32, #tpu.memory_space<vmem_shared>>
      %dma_start3A_16 = tpu.memref_slice %arg2[%mul3A_2] : memref<10240xf32, #tpu.memory_space<hbm>> -> memref<640xf32, #tpu.memory_space<hbm>>
      tpu.enqueue_dma source(%dma_start3A_16 : memref<640xf32, #tpu.memory_space<hbm>>) target(%dma_start3A : memref<640xf32, #tpu.memory_space<vmem_shared>>) target_semaphore(%run_scoped3A : memref<!tpu.dma_semaphore, #tpu.memory_space<semaphore_mem>>)
      %dma_wait3A = tpu.memref_slice %arg10[%mul3A_2] : memref<10240xf32, #tpu.memory_space<vmem_shared>> -> memref<640xf32, #tpu.memory_space<vmem_shared>>
      %dma_wait3A_17 = tpu.memref_slice %arg2[%mul3A_2] : memref<10240xf32, #tpu.memory_space<hbm>> -> memref<640xf32, #tpu.memory_space<hbm>>
      tpu.wait_dma2 semaphore(%run_scoped3A : memref<!tpu.dma_semaphore, #tpu.memory_space<semaphore_mem>>) src(%dma_wait3A_17 : memref<640xf32, #tpu.memory_space<hbm>>) dst(%dma_wait3A : memref<640xf32, #tpu.memory_space<vmem_shared>>)
      tpu.yield
    }) : () -> ()
    %eq3A = arith.constant 0 : i32
    %eq3A_3 = arith.cmpi eq, %arg0, %eq3A : i32
    %convert_element_type3A = arith.extui %eq3A_3 : i1 to i32
    %cond3A = arith.constant 0 : i32
    %cond3A_4 = arith.cmpi ne, %convert_element_type3A, %cond3A : i32
    scf.if %cond3A_4 {
      "tpu.region"() ({
        %run_scoped3A = tpu.sem_alloc : memref<!tpu.dma_semaphore, #tpu.memory_space<semaphore_mem>>
        %dma_start3A = tpu.memref_slice %arg11[%mul3A_2] : memref<10240xf32, #tpu.memory_space<vmem_shared>> -> memref<640xf32, #tpu.memory_space<vmem_shared>>
        %dma_start3A_16 = tpu.memref_slice %arg2[%mul3A_2] : memref<10240xf32, #tpu.memory_space<hbm>> -> memref<640xf32, #tpu.memory_space<hbm>>
        tpu.enqueue_dma source(%dma_start3A_16 : memref<640xf32, #tpu.memory_space<hbm>>) target(%dma_start3A : memref<640xf32, #tpu.memory_space<vmem_shared>>) target_semaphore(%run_scoped3A : memref<!tpu.dma_semaphore, #tpu.memory_space<semaphore_mem>>)
        %dma_wait3A = tpu.memref_slice %arg11[%mul3A_2] : memref<10240xf32, #tpu.memory_space<vmem_shared>> -> memref<640xf32, #tpu.memory_space<vmem_shared>>
        %dma_wait3A_17 = tpu.memref_slice %arg2[%mul3A_2] : memref<10240xf32, #tpu.memory_space<hbm>> -> memref<640xf32, #tpu.memory_space<hbm>>
        tpu.wait_dma2 semaphore(%run_scoped3A : memref<!tpu.dma_semaphore, #tpu.memory_space<semaphore_mem>>) src(%dma_wait3A_17 : memref<640xf32, #tpu.memory_space<hbm>>) dst(%dma_wait3A : memref<640xf32, #tpu.memory_space<vmem_shared>>)
        tpu.yield
      }) : () -> ()
    } else {
    }
    %eq3A_5 = arith.constant 1 : i32
    %eq3A_6 = arith.cmpi eq, %arg0, %eq3A_5 : i32
    %convert_element_type3A_7 = arith.extui %eq3A_6 : i1 to i32
    %cond3A_8 = arith.constant 0 : i32
    %cond3A_9 = arith.cmpi ne, %convert_element_type3A_7, %cond3A_8 : i32
    scf.if %cond3A_9 {
      "tpu.region"() ({
        %run_scoped3A = tpu.sem_alloc : memref<!tpu.dma_semaphore, #tpu.memory_space<semaphore_mem>>
        %dma_start3A = tpu.memref_slice %arg11[%mul3A_2] : memref<10240xf32, #tpu.memory_space<vmem_shared>> -> memref<640xf32, #tpu.memory_space<vmem_shared>>
        %dma_start3A_16 = tpu.memref_slice %arg3[%mul3A_2] : memref<10240xf32, #tpu.memory_space<hbm>> -> memref<640xf32, #tpu.memory_space<hbm>>
        tpu.enqueue_dma source(%dma_start3A_16 : memref<640xf32, #tpu.memory_space<hbm>>) target(%dma_start3A : memref<640xf32, #tpu.memory_space<vmem_shared>>) target_semaphore(%run_scoped3A : memref<!tpu.dma_semaphore, #tpu.memory_space<semaphore_mem>>)
        %dma_wait3A = tpu.memref_slice %arg11[%mul3A_2] : memref<10240xf32, #tpu.memory_space<vmem_shared>> -> memref<640xf32, #tpu.memory_space<vmem_shared>>
        %dma_wait3A_17 = tpu.memref_slice %arg3[%mul3A_2] : memref<10240xf32, #tpu.memory_space<hbm>> -> memref<640xf32, #tpu.memory_space<hbm>>
        tpu.wait_dma2 semaphore(%run_scoped3A : memref<!tpu.dma_semaphore, #tpu.memory_space<semaphore_mem>>) src(%dma_wait3A_17 : memref<640xf32, #tpu.memory_space<hbm>>) dst(%dma_wait3A : memref<640xf32, #tpu.memory_space<vmem_shared>>)
        tpu.yield
      }) : () -> ()
    } else {
    }
    "tpu.region"() ({
      %run_scoped3A = tpu.sem_alloc : memref<!tpu.dma_semaphore, #tpu.memory_space<semaphore_mem>>
      %dma_start3A = arith.constant 0 : i32
      %dma_start3A_16 = arith.constant 0 : i32
      %dma_start3A_17 = tpu.memref_slice %arg4[%add3A, %dma_start3A, %dma_start3A_16] : memref<32x80x128xi32, #tpu.memory_space<hbm>> -> memref<1x80x128xi32, #tpu.memory_space<hbm>>
      %dma_start3A_18 = tpu.memref_squeeze %dma_start3A_17 : memref<1x80x128xi32, #tpu.memory_space<hbm>> -> memref<80x128xi32, #tpu.memory_space<hbm>>
      %dma_start3A_19 = arith.constant 0 : i32
      %dma_start3A_20 = arith.constant 0 : i32
      %dma_start3A_21 = tpu.memref_slice %arg4[%add3A, %dma_start3A_19, %dma_start3A_20] : memref<32x80x128xi32, #tpu.memory_space<hbm>> -> memref<1x80x128xi32, #tpu.memory_space<hbm>>
      %dma_start3A_22 = tpu.memref_squeeze %dma_start3A_21 : memref<1x80x128xi32, #tpu.memory_space<hbm>> -> memref<80x128xi32, #tpu.memory_space<hbm>>
      tpu.enqueue_dma source(%dma_start3A_22 : memref<80x128xi32, #tpu.memory_space<hbm>>) target(%arg7 : memref<80x128xi32, #tpu.memory_space<vmem>>) target_semaphore(%run_scoped3A : memref<!tpu.dma_semaphore, #tpu.memory_space<semaphore_mem>>)
      %dma_wait3A = arith.constant 0 : i32
      %dma_wait3A_23 = arith.constant 0 : i32
      %dma_wait3A_24 = tpu.memref_slice %arg4[%add3A, %dma_wait3A, %dma_wait3A_23] : memref<32x80x128xi32, #tpu.memory_space<hbm>> -> memref<1x80x128xi32, #tpu.memory_space<hbm>>
      %dma_wait3A_25 = tpu.memref_squeeze %dma_wait3A_24 : memref<1x80x128xi32, #tpu.memory_space<hbm>> -> memref<80x128xi32, #tpu.memory_space<hbm>>
      %dma_wait3A_26 = arith.constant 0 : i32
      %dma_wait3A_27 = arith.constant 0 : i32
      %dma_wait3A_28 = tpu.memref_slice %arg4[%add3A, %dma_wait3A_26, %dma_wait3A_27] : memref<32x80x128xi32, #tpu.memory_space<hbm>> -> memref<1x80x128xi32, #tpu.memory_space<hbm>>
      %dma_wait3A_29 = tpu.memref_squeeze %dma_wait3A_28 : memref<1x80x128xi32, #tpu.memory_space<hbm>> -> memref<80x128xi32, #tpu.memory_space<hbm>>
      tpu.wait_dma2 semaphore(%run_scoped3A : memref<!tpu.dma_semaphore, #tpu.memory_space<semaphore_mem>>) src(%dma_wait3A_29 : memref<80x128xi32, #tpu.memory_space<hbm>>) dst(%arg7 : memref<80x128xi32, #tpu.memory_space<vmem>>)
      tpu.yield
    }) : () -> ()
    "tpu.region"() ({
      %run_scoped3A = tpu.sem_alloc : memref<!tpu.dma_semaphore, #tpu.memory_space<semaphore_mem>>
      %dma_start3A = arith.constant 0 : i32
      %dma_start3A_16 = arith.constant 0 : i32
      %dma_start3A_17 = tpu.memref_slice %arg5[%add3A, %dma_start3A, %dma_start3A_16] : memref<32x80x128xi32, #tpu.memory_space<hbm>> -> memref<1x80x128xi32, #tpu.memory_space<hbm>>
      %dma_start3A_18 = tpu.memref_squeeze %dma_start3A_17 : memref<1x80x128xi32, #tpu.memory_space<hbm>> -> memref<80x128xi32, #tpu.memory_space<hbm>>
      %dma_start3A_19 = arith.constant 0 : i32
      %dma_start3A_20 = arith.constant 0 : i32
      %dma_start3A_21 = tpu.memref_slice %arg5[%add3A, %dma_start3A_19, %dma_start3A_20] : memref<32x80x128xi32, #tpu.memory_space<hbm>> -> memref<1x80x128xi32, #tpu.memory_space<hbm>>
      %dma_start3A_22 = tpu.memref_squeeze %dma_start3A_21 : memref<1x80x128xi32, #tpu.memory_space<hbm>> -> memref<80x128xi32, #tpu.memory_space<hbm>>
      tpu.enqueue_dma source(%dma_start3A_22 : memref<80x128xi32, #tpu.memory_space<hbm>>) target(%arg8 : memref<80x128xi32, #tpu.memory_space<vmem>>) target_semaphore(%run_scoped3A : memref<!tpu.dma_semaphore, #tpu.memory_space<semaphore_mem>>)
      %dma_wait3A = arith.constant 0 : i32
      %dma_wait3A_23 = arith.constant 0 : i32
      %dma_wait3A_24 = tpu.memref_slice %arg5[%add3A, %dma_wait3A, %dma_wait3A_23] : memref<32x80x128xi32, #tpu.memory_space<hbm>> -> memref<1x80x128xi32, #tpu.memory_space<hbm>>
      %dma_wait3A_25 = tpu.memref_squeeze %dma_wait3A_24 : memref<1x80x128xi32, #tpu.memory_space<hbm>> -> memref<80x128xi32, #tpu.memory_space<hbm>>
      %dma_wait3A_26 = arith.constant 0 : i32
      %dma_wait3A_27 = arith.constant 0 : i32
      %dma_wait3A_28 = tpu.memref_slice %arg5[%add3A, %dma_wait3A_26, %dma_wait3A_27] : memref<32x80x128xi32, #tpu.memory_space<hbm>> -> memref<1x80x128xi32, #tpu.memory_space<hbm>>
      %dma_wait3A_29 = tpu.memref_squeeze %dma_wait3A_28 : memref<1x80x128xi32, #tpu.memory_space<hbm>> -> memref<80x128xi32, #tpu.memory_space<hbm>>
      tpu.wait_dma2 semaphore(%run_scoped3A : memref<!tpu.dma_semaphore, #tpu.memory_space<semaphore_mem>>) src(%dma_wait3A_29 : memref<80x128xi32, #tpu.memory_space<hbm>>) dst(%arg8 : memref<80x128xi32, #tpu.memory_space<vmem>>)
      tpu.yield
    }) : () -> ()
    %barrier3A = arith.constant 0 : index
    tpu.barrier barrier_id(%barrier3A)
    %scan3A = arith.constant 0 : i32
    %scan3A_10 = arith.constant 0 : i32
    %scan3A_11 = arith.constant 80 : i32
    %scan3A_12 = arith.addi %scan3A_10, %scan3A_11 : i32
    %scan3A_13 = arith.constant 1 : i32
    scf.for %scan3A_16 = %scan3A_10 to %scan3A_12 step %scan3A_13  : i32 {
      %dma_start3A = arith.constant 0 : i32
      %dma_start3A_17 = tpu.memref_slice %arg7[%scan3A_16, %dma_start3A] : memref<80x128xi32, #tpu.memory_space<vmem>> -> memref<1x128xi32, #tpu.memory_space<vmem>>
      %dma_start3A_18 = tpu.memref_squeeze %dma_start3A_17 : memref<1x128xi32, #tpu.memory_space<vmem>> -> memref<128xi32, #tpu.memory_space<vmem>>
      %dma_start3A_19 = arith.constant 0 : i32
      %dma_start3A_20 = tpu.memref_slice %arg10[%dma_start3A_19] : memref<10240xf32, #tpu.memory_space<vmem_shared>> -> memref<10240xf32, #tpu.memory_space<vmem_shared>>
      tpu.enqueue_indirect_dma source(%dma_start3A_20 : memref<10240xf32, #tpu.memory_space<vmem_shared>>) target(%arg9 : memref<128xf32, #tpu.memory_space<vmem>>) offsets(%dma_start3A_18 : memref<128xi32, #tpu.memory_space<vmem>>) semaphore(%arg12 : memref<!tpu.dma_semaphore, #tpu.memory_space<semaphore_mem>>)
      %dma_wait3A = arith.constant 0 : i32
      %dma_wait3A_21 = tpu.memref_slice %arg7[%scan3A_16, %dma_wait3A] : memref<80x128xi32, #tpu.memory_space<vmem>> -> memref<1x128xi32, #tpu.memory_space<vmem>>
      %dma_wait3A_22 = tpu.memref_squeeze %dma_wait3A_21 : memref<1x128xi32, #tpu.memory_space<vmem>> -> memref<128xi32, #tpu.memory_space<vmem>>
      %dma_wait3A_23 = arith.constant 0 : i32
      %dma_wait3A_24 = tpu.memref_slice %arg10[%dma_wait3A_23] : memref<10240xf32, #tpu.memory_space<vmem_shared>> -> memref<10240xf32, #tpu.memory_space<vmem_shared>>
      tpu.wait_indirect_dma semaphore(%arg12 : memref<!tpu.dma_semaphore, #tpu.memory_space<semaphore_mem>>) src(%dma_wait3A_24 : memref<10240xf32, #tpu.memory_space<vmem_shared>>) dst(%arg9 : memref<128xf32, #tpu.memory_space<vmem>>)
      "tpu.region"() ({
        %run_scoped3A = tpu.sem_alloc : memref<!tpu.dma_semaphore, #tpu.memory_space<semaphore_mem>>
        %dma_start3A_25 = arith.constant 0 : i32
        %dma_start3A_26 = tpu.memref_slice %arg8[%scan3A_16, %dma_start3A_25] : memref<80x128xi32, #tpu.memory_space<vmem>> -> memref<1x128xi32, #tpu.memory_space<vmem>>
        %dma_start3A_27 = tpu.memref_squeeze %dma_start3A_26 : memref<1x128xi32, #tpu.memory_space<vmem>> -> memref<128xi32, #tpu.memory_space<vmem>>
        %dma_start3A_28 = arith.constant 0 : i32
        %dma_start3A_29 = tpu.memref_slice %arg11[%dma_start3A_28] : memref<10240xf32, #tpu.memory_space<vmem_shared>> -> memref<10240xf32, #tpu.memory_space<vmem_shared>>
        tpu.enqueue_indirect_dma source(%arg9 : memref<128xf32, #tpu.memory_space<vmem>>) target(%dma_start3A_29 : memref<10240xf32, #tpu.memory_space<vmem_shared>>) offsets(%dma_start3A_27 : memref<128xi32, #tpu.memory_space<vmem>>) semaphore(%run_scoped3A : memref<!tpu.dma_semaphore, #tpu.memory_space<semaphore_mem>>) {add = true}
        %dma_wait3A_30 = arith.constant 0 : i32
        %dma_wait3A_31 = tpu.memref_slice %arg8[%scan3A_16, %dma_wait3A_30] : memref<80x128xi32, #tpu.memory_space<vmem>> -> memref<1x128xi32, #tpu.memory_space<vmem>>
        %dma_wait3A_32 = tpu.memref_squeeze %dma_wait3A_31 : memref<1x128xi32, #tpu.memory_space<vmem>> -> memref<128xi32, #tpu.memory_space<vmem>>
        %dma_wait3A_33 = arith.constant 0 : i32
        %dma_wait3A_34 = tpu.memref_slice %arg11[%dma_wait3A_33] : memref<10240xf32, #tpu.memory_space<vmem_shared>> -> memref<10240xf32, #tpu.memory_space<vmem_shared>>
        tpu.wait_indirect_dma semaphore(%run_scoped3A : memref<!tpu.dma_semaphore, #tpu.memory_space<semaphore_mem>>) src(%arg9 : memref<128xf32, #tpu.memory_space<vmem>>) dst(%dma_wait3A_34 : memref<10240xf32, #tpu.memory_space<vmem_shared>>)
        tpu.yield
      }) : () -> ()
    }
    %scan3A_14 = arith.constant 80 : i32
    %barrier3A_15 = arith.constant 0 : index
    tpu.barrier barrier_id(%barrier3A_15)
    "tpu.region"() ({
      %run_scoped3A = tpu.sem_alloc : memref<!tpu.dma_semaphore, #tpu.memory_space<semaphore_mem>>
      %dma_start3A = tpu.memref_slice %arg6[%arg0, %mul3A_2] : memref<2x10240xf32, #tpu.memory_space<hbm>> -> memref<1x640xf32, #tpu.memory_space<hbm>>
      %dma_start3A_16 = tpu.memref_squeeze %dma_start3A : memref<1x640xf32, #tpu.memory_space<hbm>> -> memref<640xf32, #tpu.memory_space<hbm>>
      %dma_start3A_17 = tpu.memref_slice %arg11[%mul3A_2] : memref<10240xf32, #tpu.memory_space<vmem_shared>> -> memref<640xf32, #tpu.memory_space<vmem_shared>>
      tpu.enqueue_dma source(%dma_start3A_17 : memref<640xf32, #tpu.memory_space<vmem_shared>>) target(%dma_start3A_16 : memref<640xf32, #tpu.memory_space<hbm>>) target_semaphore(%run_scoped3A : memref<!tpu.dma_semaphore, #tpu.memory_space<semaphore_mem>>)
      %dma_wait3A = tpu.memref_slice %arg6[%arg0, %mul3A_2] : memref<2x10240xf32, #tpu.memory_space<hbm>> -> memref<1x640xf32, #tpu.memory_space<hbm>>
      %dma_wait3A_18 = tpu.memref_squeeze %dma_wait3A : memref<1x640xf32, #tpu.memory_space<hbm>> -> memref<640xf32, #tpu.memory_space<hbm>>
      %dma_wait3A_19 = tpu.memref_slice %arg11[%mul3A_2] : memref<10240xf32, #tpu.memory_space<vmem_shared>> -> memref<640xf32, #tpu.memory_space<vmem_shared>>
      tpu.wait_dma2 semaphore(%run_scoped3A : memref<!tpu.dma_semaphore, #tpu.memory_space<semaphore_mem>>) src(%dma_wait3A_19 : memref<640xf32, #tpu.memory_space<vmem_shared>>) dst(%dma_wait3A_18 : memref<640xf32, #tpu.memory_space<hbm>>)
      tpu.yield
    }) : () -> ()
    return
  }
}

module attributes {stable_mosaic.version = 14 : i64} {
  func.func @_k1_body(%arg0: i32, %arg1: memref<1024x128xf32, #tpu.memory_space<vmem>>, %arg2: memref<128x128xf32, #tpu.memory_space<vmem>>, %arg3: memref<2x1024x1xf32, #tpu.memory_space<vmem>>, %arg4: memref<2x1024x64xf32, #tpu.memory_space<vmem>>, %arg5: memref<1024x1xf32, #tpu.memory_space<vmem>>) attributes {dimension_semantics = [#tpu.dimension_semantics<arbitrary>], iteration_bounds = array<i64: 10>, scalar_prefetch = 0 : i64, scratch_operands = 0 : i64, tpu.core_type = #tpu.core_type<tc>, window_params = [{transform_indices = @transform_0, window_bounds = array<i64: 1024, 128>}, {pipeline_mode = #tpu.pipeline_mode<synchronous>, transform_indices = @transform_1, window_bounds = array<i64: 128, 128>}, {transform_indices = @transform_2, window_bounds = array<i64: 2, 1024, 1>}, {transform_indices = @transform_3, window_bounds = array<i64: 2, 1024, 64>}, {transform_indices = @transform_4, window_bounds = array<i64: 1024, 1>}]} {
    %get3A = arith.constant 0 : index
    %get3A_0 = arith.constant 0 : index
    %get3A_1 = arith.constant 0 : index
    %get3A_2 = vector.load %arg3[%get3A, %get3A_0, %get3A_1] : memref<2x1024x1xf32, #tpu.memory_space<vmem>>, vector<1x1024x1xf32>
    %get3A_3 = vector.shape_cast %get3A_2 : vector<1x1024x1xf32> to vector<1024x1xf32>
    %get3A_4 = arith.constant 1 : index
    %get3A_5 = arith.constant 0 : index
    %get3A_6 = arith.constant 0 : index
    %get3A_7 = vector.load %arg3[%get3A_4, %get3A_5, %get3A_6] : memref<2x1024x1xf32, #tpu.memory_space<vmem>>, vector<1x1024x1xf32>
    %get3A_8 = vector.shape_cast %get3A_7 : vector<1x1024x1xf32> to vector<1024x1xf32>
    %add3A = arith.addf %get3A_3, %get3A_8 : vector<1024x1xf32>
    %add3A_9 = arith.constant 1.000000e+00 : f32
    %add3A_10 = vector.broadcast %add3A_9 : f32 to vector<1024x1xf32>
    %add3A_11 = arith.addf %add3A, %add3A_10 : vector<1024x1xf32>
    %rsqrt3A = math.rsqrt %add3A_11 : vector<1024x1xf32>
    %get3A_12 = arith.constant 0 : index
    %get3A_13 = arith.constant 0 : index
    %get3A_14 = vector.load %arg1[%get3A_12, %get3A_13] : memref<1024x128xf32, #tpu.memory_space<vmem>>, vector<1024x128xf32>
    %get3A_15 = arith.constant 0 : index
    %get3A_16 = arith.constant 0 : index
    %get3A_17 = vector.load %arg2[%get3A_15, %get3A_16] : memref<128x128xf32, #tpu.memory_space<vmem>>, vector<128x128xf32>
    %dot_general3A = arith.constant dense<0.000000e+00> : vector<1024x128xf32>
    %dot_general3A_18 = tpu.matmul %get3A_14, %get3A_17, %dot_general3A {dimension_numbers = #tpu.dot_dimension_numbers<[1], [0], [0], [1], [0, 0, 1, 1], [], []>, transpose_lhs_hint = false} : vector<1024x128xf32>, vector<128x128xf32>, vector<1024x128xf32> -> vector<1024x128xf32>
    %mul3A = vector.broadcast %rsqrt3A : vector<1024x1xf32> to vector<1024x128xf32>
    %mul3A_19 = arith.mulf %dot_general3A_18, %mul3A : vector<1024x128xf32>
    %slice3A = vector.extract_strided_slice %mul3A_19 {offsets = [0, 0], sizes = [1024, 64], strides = [1, 1]} : vector<1024x128xf32> to vector<1024x64xf32>
    %swap3A = arith.constant 0 : index
    %swap3A_20 = arith.constant 0 : index
    %swap3A_21 = arith.constant 0 : index
    %swap3A_22 = vector.load %arg4[%swap3A, %swap3A_20, %swap3A_21] : memref<2x1024x64xf32, #tpu.memory_space<vmem>>, vector<1x1024x64xf32>
    %swap3A_23 = vector.shape_cast %swap3A_22 : vector<1x1024x64xf32> to vector<1024x64xf32>
    %swap3A_24 = vector.shape_cast %slice3A : vector<1024x64xf32> to vector<1x1024x64xf32>
    tpu.vector_store %arg4[%swap3A, %swap3A_20, %swap3A_21], %swap3A_24 {strides = array<i32>} : memref<2x1024x64xf32, #tpu.memory_space<vmem>>, vector<1x1024x64xf32>,
    %slice3A_25 = vector.extract_strided_slice %mul3A_19 {offsets = [0, 64], sizes = [1024, 64], strides = [1, 1]} : vector<1024x128xf32> to vector<1024x64xf32>
    %swap3A_26 = arith.constant 1 : index
    %swap3A_27 = arith.constant 0 : index
    %swap3A_28 = arith.constant 0 : index
    %swap3A_29 = vector.load %arg4[%swap3A_26, %swap3A_27, %swap3A_28] : memref<2x1024x64xf32, #tpu.memory_space<vmem>>, vector<1x1024x64xf32>
    %swap3A_30 = vector.shape_cast %swap3A_29 : vector<1x1024x64xf32> to vector<1024x64xf32>
    %swap3A_31 = vector.shape_cast %slice3A_25 : vector<1024x64xf32> to vector<1x1024x64xf32>
    tpu.vector_store %arg4[%swap3A_26, %swap3A_27, %swap3A_28], %swap3A_31 {strides = array<i32>} : memref<2x1024x64xf32, #tpu.memory_space<vmem>>, vector<1x1024x64xf32>,
    %swap3A_32 = arith.constant 0 : index
    %swap3A_33 = arith.constant 0 : index
    %swap3A_34 = vector.load %arg5[%swap3A_32, %swap3A_33] : memref<1024x1xf32, #tpu.memory_space<vmem>>, vector<1024x1xf32>
    tpu.vector_store %arg5[%swap3A_32, %swap3A_33], %rsqrt3A {strides = array<i32>} : memref<1024x1xf32, #tpu.memory_space<vmem>>, vector<1024x1xf32>,
    return
  }
  func.func @transform_0(%arg0: i32) -> (i32, i32) {
    %c0_i32 = arith.constant 0 : i32
    %c0_i32_0 = arith.constant 0 : i32
    return %arg0, %c0_i32 : i32, i32
  }
  func.func @transform_1(%arg0: i32) -> (i32, i32) {
    %c0_i32 = arith.constant 0 : i32
    %c0_i32_0 = arith.constant 0 : i32
    %c0_i32_1 = arith.constant 0 : i32
    return %c0_i32, %c0_i32_0 : i32, i32
  }
  func.func @transform_2(%arg0: i32) -> (i32, i32, i32) {
    %c0_i32 = arith.constant 0 : i32
    %c0_i32_0 = arith.constant 0 : i32
    %c0_i32_1 = arith.constant 0 : i32
    return %c0_i32, %arg0, %c0_i32_0 : i32, i32, i32
  }
  func.func @transform_3(%arg0: i32) -> (i32, i32, i32) {
    %c0_i32 = arith.constant 0 : i32
    %c0_i32_0 = arith.constant 0 : i32
    %c0_i32_1 = arith.constant 0 : i32
    return %c0_i32, %arg0, %c0_i32_0 : i32, i32, i32
  }
  func.func @transform_4(%arg0: i32) -> (i32, i32) {
    %c0_i32 = arith.constant 0 : i32
    %c0_i32_0 = arith.constant 0 : i32
    return %arg0, %c0_i32 : i32, i32
  }
}

module attributes {stable_mosaic.version = 14 : i64} {
  func.func @_k2_body(%arg0: i32, %arg1: memref<2x1024x64xf32, #tpu.memory_space<vmem>>, %arg2: memref<1024x1xf32, #tpu.memory_space<vmem>>, %arg3: memref<1x128xf32, #tpu.memory_space<vmem>>, %arg4: memref<128x64xf32, #tpu.memory_space<vmem>>, %arg5: memref<1024x64xf32, #tpu.memory_space<vmem>>) attributes {dimension_semantics = [#tpu.dimension_semantics<arbitrary>], iteration_bounds = array<i64: 10>, scalar_prefetch = 0 : i64, scratch_operands = 0 : i64, tpu.core_type = #tpu.core_type<tc>, window_params = [{transform_indices = @transform_0, window_bounds = array<i64: 2, 1024, 64>}, {transform_indices = @transform_1, window_bounds = array<i64: 1024, 1>}, {pipeline_mode = #tpu.pipeline_mode<synchronous>, transform_indices = @transform_2, window_bounds = array<i64: 1, 128>}, {pipeline_mode = #tpu.pipeline_mode<synchronous>, transform_indices = @transform_3, window_bounds = array<i64: 128, 64>}, {transform_indices = @transform_4, window_bounds = array<i64: 1024, 64>}]} {
    %get3A = arith.constant 0 : index
    %get3A_0 = arith.constant 0 : index
    %get3A_1 = arith.constant 0 : index
    %get3A_2 = vector.load %arg1[%get3A, %get3A_0, %get3A_1] : memref<2x1024x64xf32, #tpu.memory_space<vmem>>, vector<1x1024x64xf32>
    %get3A_3 = vector.shape_cast %get3A_2 : vector<1x1024x64xf32> to vector<1024x64xf32>
    %get3A_4 = arith.constant 1 : index
    %get3A_5 = arith.constant 0 : index
    %get3A_6 = arith.constant 0 : index
    %get3A_7 = vector.load %arg1[%get3A_4, %get3A_5, %get3A_6] : memref<2x1024x64xf32, #tpu.memory_space<vmem>>, vector<1x1024x64xf32>
    %get3A_8 = vector.shape_cast %get3A_7 : vector<1x1024x64xf32> to vector<1024x64xf32>
    %concatenate3A = tpu.concatenate %get3A_3, %get3A_8 in 1 : vector<1024x64xf32>, vector<1024x64xf32> -> vector<1024x128xf32>
    %get3A_9 = arith.constant 0 : index
    %get3A_10 = arith.constant 0 : index
    %get3A_11 = vector.load %arg2[%get3A_9, %get3A_10] : memref<1024x1xf32, #tpu.memory_space<vmem>>, vector<1024x1xf32>
    %mul3A = vector.broadcast %get3A_11 : vector<1024x1xf32> to vector<1024x128xf32>
    %mul3A_12 = arith.mulf %concatenate3A, %mul3A : vector<1024x128xf32>
    %get3A_13 = arith.constant 0 : index
    %get3A_14 = arith.constant 0 : index
    %get3A_15 = vector.load %arg3[%get3A_13, %get3A_14] : memref<1x128xf32, #tpu.memory_space<vmem>>, vector<1x128xf32>
    %add3A = vector.broadcast %get3A_15 : vector<1x128xf32> to vector<1024x128xf32>
    %add3A_16 = arith.addf %mul3A_12, %add3A : vector<1024x128xf32>
    %max3A = arith.constant 0.000000e+00 : f32
    %max3A_17 = vector.broadcast %max3A : f32 to vector<1024x128xf32>
    %max3A_18 = arith.maximumf %add3A_16, %max3A_17 : vector<1024x128xf32>
    %get3A_19 = arith.constant 0 : index
    %get3A_20 = arith.constant 0 : index
    %get3A_21 = vector.load %arg4[%get3A_19, %get3A_20] : memref<128x64xf32, #tpu.memory_space<vmem>>, vector<128x64xf32>
    %dot_general3A = arith.constant dense<0.000000e+00> : vector<1024x64xf32>
    %dot_general3A_22 = tpu.matmul %max3A_18, %get3A_21, %dot_general3A {dimension_numbers = #tpu.dot_dimension_numbers<[1], [0], [0], [1], [0, 0, 1, 1], [], []>, transpose_lhs_hint = false} : vector<1024x128xf32>, vector<128x64xf32>, vector<1024x64xf32> -> vector<1024x64xf32>
    %mul3A_23 = vector.broadcast %get3A_11 : vector<1024x1xf32> to vector<1024x64xf32>
    %mul3A_24 = arith.mulf %dot_general3A_22, %mul3A_23 : vector<1024x64xf32>
    %swap3A = arith.constant 0 : index
    %swap3A_25 = arith.constant 0 : index
    %swap3A_26 = vector.load %arg5[%swap3A, %swap3A_25] : memref<1024x64xf32, #tpu.memory_space<vmem>>, vector<1024x64xf32>
    tpu.vector_store %arg5[%swap3A, %swap3A_25], %mul3A_24 {strides = array<i32>} : memref<1024x64xf32, #tpu.memory_space<vmem>>, vector<1024x64xf32>,
    return
  }
  func.func @transform_0(%arg0: i32) -> (i32, i32, i32) {
    %c0_i32 = arith.constant 0 : i32
    %c0_i32_0 = arith.constant 0 : i32
    %c0_i32_1 = arith.constant 0 : i32
    return %c0_i32, %arg0, %c0_i32_0 : i32, i32, i32
  }
  func.func @transform_1(%arg0: i32) -> (i32, i32) {
    %c0_i32 = arith.constant 0 : i32
    %c0_i32_0 = arith.constant 0 : i32
    return %arg0, %c0_i32 : i32, i32
  }
  func.func @transform_2(%arg0: i32) -> (i32, i32) {
    %c0_i32 = arith.constant 0 : i32
    %c0_i32_0 = arith.constant 0 : i32
    %c0_i32_1 = arith.constant 0 : i32
    return %c0_i32, %c0_i32_0 : i32, i32
  }
  func.func @transform_3(%arg0: i32) -> (i32, i32) {
    %c0_i32 = arith.constant 0 : i32
    %c0_i32_0 = arith.constant 0 : i32
    %c0_i32_1 = arith.constant 0 : i32
    return %c0_i32, %c0_i32_0 : i32, i32
  }
  func.func @transform_4(%arg0: i32) -> (i32, i32) {
    %c0_i32 = arith.constant 0 : i32
    %c0_i32_0 = arith.constant 0 : i32
    return %arg0, %c0_i32 : i32, i32
  }
}

module attributes {stable_mosaic.version = 14 : i64} {
  func.func @_k3_body(%arg0: i32, %arg1: memref<2x1024x64xf32, #tpu.memory_space<vmem>>, %arg2: memref<1024x1xf32, #tpu.memory_space<vmem>>, %arg3: memref<1x64xf32, #tpu.memory_space<vmem>>, %arg4: memref<64x1xf32, #tpu.memory_space<vmem>>, %arg5: memref<1024x1xf32, #tpu.memory_space<vmem>>) attributes {dimension_semantics = [#tpu.dimension_semantics<arbitrary>], iteration_bounds = array<i64: 10>, scalar_prefetch = 0 : i64, scratch_operands = 0 : i64, tpu.core_type = #tpu.core_type<tc>, window_params = [{transform_indices = @transform_0, window_bounds = array<i64: 2, 1024, 64>}, {transform_indices = @transform_1, window_bounds = array<i64: 1024, 1>}, {pipeline_mode = #tpu.pipeline_mode<synchronous>, transform_indices = @transform_2, window_bounds = array<i64: 1, 64>}, {pipeline_mode = #tpu.pipeline_mode<synchronous>, transform_indices = @transform_3, window_bounds = array<i64: 64, 1>}, {transform_indices = @transform_4, window_bounds = array<i64: 1024, 1>}]} {
    %get3A = arith.constant 0 : index
    %get3A_0 = arith.constant 0 : index
    %get3A_1 = arith.constant 0 : index
    %get3A_2 = vector.load %arg1[%get3A, %get3A_0, %get3A_1] : memref<2x1024x64xf32, #tpu.memory_space<vmem>>, vector<1x1024x64xf32>
    %get3A_3 = vector.shape_cast %get3A_2 : vector<1x1024x64xf32> to vector<1024x64xf32>
    %get3A_4 = arith.constant 1 : index
    %get3A_5 = arith.constant 0 : index
    %get3A_6 = arith.constant 0 : index
    %get3A_7 = vector.load %arg1[%get3A_4, %get3A_5, %get3A_6] : memref<2x1024x64xf32, #tpu.memory_space<vmem>>, vector<1x1024x64xf32>
    %get3A_8 = vector.shape_cast %get3A_7 : vector<1x1024x64xf32> to vector<1024x64xf32>
    %add3A = arith.addf %get3A_3, %get3A_8 : vector<1024x64xf32>
    %get3A_9 = arith.constant 0 : index
    %get3A_10 = arith.constant 0 : index
    %get3A_11 = vector.load %arg2[%get3A_9, %get3A_10] : memref<1024x1xf32, #tpu.memory_space<vmem>>, vector<1024x1xf32>
    %mul3A = vector.broadcast %get3A_11 : vector<1024x1xf32> to vector<1024x64xf32>
    %mul3A_12 = arith.mulf %add3A, %mul3A : vector<1024x64xf32>
    %get3A_13 = arith.constant 0 : index
    %get3A_14 = arith.constant 0 : index
    %get3A_15 = vector.load %arg3[%get3A_13, %get3A_14] : memref<1x64xf32, #tpu.memory_space<vmem>>, vector<1x64xf32>
    %add3A_16 = vector.broadcast %get3A_15 : vector<1x64xf32> to vector<1024x64xf32>
    %add3A_17 = arith.addf %mul3A_12, %add3A_16 : vector<1024x64xf32>
    %max3A = arith.constant 0.000000e+00 : f32
    %max3A_18 = vector.broadcast %max3A : f32 to vector<1024x64xf32>
    %max3A_19 = arith.maximumf %add3A_17, %max3A_18 : vector<1024x64xf32>
    %get3A_20 = arith.constant 0 : index
    %get3A_21 = arith.constant 0 : index
    %get3A_22 = vector.load %arg4[%get3A_20, %get3A_21] : memref<64x1xf32, #tpu.memory_space<vmem>>, vector<64x1xf32>
    %dot_general3A = arith.constant dense<0.000000e+00> : vector<1024x1xf32>
    %dot_general3A_23 = tpu.matmul %max3A_19, %get3A_22, %dot_general3A {dimension_numbers = #tpu.dot_dimension_numbers<[1], [0], [0], [1], [0, 0, 1, 1], [], []>, transpose_lhs_hint = false} : vector<1024x64xf32>, vector<64x1xf32>, vector<1024x1xf32> -> vector<1024x1xf32>
    %mul3A_24 = arith.mulf %dot_general3A_23, %get3A_11 : vector<1024x1xf32>
    %swap3A = arith.constant 0 : index
    %swap3A_25 = arith.constant 0 : index
    %swap3A_26 = vector.load %arg5[%swap3A, %swap3A_25] : memref<1024x1xf32, #tpu.memory_space<vmem>>, vector<1024x1xf32>
    tpu.vector_store %arg5[%swap3A, %swap3A_25], %mul3A_24 {strides = array<i32>} : memref<1024x1xf32, #tpu.memory_space<vmem>>, vector<1024x1xf32>,
    return
  }
  func.func @transform_0(%arg0: i32) -> (i32, i32, i32) {
    %c0_i32 = arith.constant 0 : i32
    %c0_i32_0 = arith.constant 0 : i32
    %c0_i32_1 = arith.constant 0 : i32
    return %c0_i32, %arg0, %c0_i32_0 : i32, i32, i32
  }
  func.func @transform_1(%arg0: i32) -> (i32, i32) {
    %c0_i32 = arith.constant 0 : i32
    %c0_i32_0 = arith.constant 0 : i32
    return %arg0, %c0_i32 : i32, i32
  }
  func.func @transform_2(%arg0: i32) -> (i32, i32) {
    %c0_i32 = arith.constant 0 : i32
    %c0_i32_0 = arith.constant 0 : i32
    %c0_i32_1 = arith.constant 0 : i32
    return %c0_i32, %c0_i32_0 : i32, i32
  }
  func.func @transform_3(%arg0: i32) -> (i32, i32) {
    %c0_i32 = arith.constant 0 : i32
    %c0_i32_0 = arith.constant 0 : i32
    %c0_i32_1 = arith.constant 0 : i32
    return %c0_i32, %c0_i32_0 : i32, i32
  }
  func.func @transform_4(%arg0: i32) -> (i32, i32) {
    %c0_i32 = arith.constant 0 : i32
    %c0_i32_0 = arith.constant 0 : i32
    return %arg0, %c0_i32 : i32, i32
  }
}

module attributes {stable_mosaic.version = 14 : i64} {
  func.func @_k4_body(%arg0: i32, %arg1: memref<2x1024x1xf32, #tpu.memory_space<vmem>>, %arg2: memref<1024x1xf32, #tpu.memory_space<vmem>>, %arg3: memref<1x1xf32, #tpu.memory_space<vmem>>, %arg4: memref<1x16xf32, #tpu.memory_space<vmem>>, %arg5: memref<1x16xf32, #tpu.memory_space<vmem>>, %arg6: memref<1024x16xf32, #tpu.memory_space<vmem>>) attributes {dimension_semantics = [#tpu.dimension_semantics<arbitrary>], iteration_bounds = array<i64: 10>, scalar_prefetch = 0 : i64, scratch_operands = 0 : i64, tpu.core_type = #tpu.core_type<tc>, window_params = [{transform_indices = @transform_0, window_bounds = array<i64: 2, 1024, 1>}, {transform_indices = @transform_1, window_bounds = array<i64: 1024, 1>}, {pipeline_mode = #tpu.pipeline_mode<synchronous>, transform_indices = @transform_2, window_bounds = array<i64: 1, 1>}, {pipeline_mode = #tpu.pipeline_mode<synchronous>, transform_indices = @transform_3, window_bounds = array<i64: 1, 16>}, {pipeline_mode = #tpu.pipeline_mode<synchronous>, transform_indices = @transform_4, window_bounds = array<i64: 1, 16>}, {transform_indices = @transform_5, window_bounds = array<i64: 1024, 16>}]} {
    %get3A = arith.constant 0 : index
    %get3A_0 = arith.constant 0 : index
    %get3A_1 = arith.constant 0 : index
    %get3A_2 = vector.load %arg1[%get3A, %get3A_0, %get3A_1] : memref<2x1024x1xf32, #tpu.memory_space<vmem>>, vector<1x1024x1xf32>
    %get3A_3 = vector.shape_cast %get3A_2 : vector<1x1024x1xf32> to vector<1024x1xf32>
    %get3A_4 = arith.constant 1 : index
    %get3A_5 = arith.constant 0 : index
    %get3A_6 = arith.constant 0 : index
    %get3A_7 = vector.load %arg1[%get3A_4, %get3A_5, %get3A_6] : memref<2x1024x1xf32, #tpu.memory_space<vmem>>, vector<1x1024x1xf32>
    %get3A_8 = vector.shape_cast %get3A_7 : vector<1x1024x1xf32> to vector<1024x1xf32>
    %add3A = arith.addf %get3A_3, %get3A_8 : vector<1024x1xf32>
    %get3A_9 = arith.constant 0 : index
    %get3A_10 = arith.constant 0 : index
    %get3A_11 = vector.load %arg2[%get3A_9, %get3A_10] : memref<1024x1xf32, #tpu.memory_space<vmem>>, vector<1024x1xf32>
    %mul3A = arith.mulf %add3A, %get3A_11 : vector<1024x1xf32>
    %get3A_12 = arith.constant 0 : index
    %get3A_13 = arith.constant 0 : index
    %get3A_14 = vector.load %arg3[%get3A_12, %get3A_13] : memref<1x1xf32, #tpu.memory_space<vmem>>, vector<1x1xf32>
    %add3A_15 = vector.broadcast %get3A_14 : vector<1x1xf32> to vector<1024x1xf32>
    %add3A_16 = arith.addf %mul3A, %add3A_15 : vector<1024x1xf32>
    %get3A_17 = arith.constant 0 : index
    %get3A_18 = arith.constant 0 : index
    %get3A_19 = vector.load %arg4[%get3A_17, %get3A_18] : memref<1x16xf32, #tpu.memory_space<vmem>>, vector<1x16xf32>
    %mul3A_20 = vector.broadcast %add3A_16 : vector<1024x1xf32> to vector<1024x16xf32>
    %mul3A_21 = vector.broadcast %get3A_19 : vector<1x16xf32> to vector<1024x16xf32>
    %mul3A_22 = arith.mulf %mul3A_20, %mul3A_21 : vector<1024x16xf32>
    %get3A_23 = arith.constant 0 : index
    %get3A_24 = arith.constant 0 : index
    %get3A_25 = vector.load %arg5[%get3A_23, %get3A_24] : memref<1x16xf32, #tpu.memory_space<vmem>>, vector<1x16xf32>
    %add3A_26 = vector.broadcast %get3A_25 : vector<1x16xf32> to vector<1024x16xf32>
    %add3A_27 = arith.addf %mul3A_22, %add3A_26 : vector<1024x16xf32>
    %swap3A = arith.constant 0 : index
    %swap3A_28 = arith.constant 0 : index
    %swap3A_29 = vector.load %arg6[%swap3A, %swap3A_28] : memref<1024x16xf32, #tpu.memory_space<vmem>>, vector<1024x16xf32>
    tpu.vector_store %arg6[%swap3A, %swap3A_28], %add3A_27 {strides = array<i32>} : memref<1024x16xf32, #tpu.memory_space<vmem>>, vector<1024x16xf32>,
    return
  }
  func.func @transform_0(%arg0: i32) -> (i32, i32, i32) {
    %c0_i32 = arith.constant 0 : i32
    %c0_i32_0 = arith.constant 0 : i32
    %c0_i32_1 = arith.constant 0 : i32
    return %c0_i32, %arg0, %c0_i32_0 : i32, i32, i32
  }
  func.func @transform_1(%arg0: i32) -> (i32, i32) {
    %c0_i32 = arith.constant 0 : i32
    %c0_i32_0 = arith.constant 0 : i32
    return %arg0, %c0_i32 : i32, i32
  }
  func.func @transform_2(%arg0: i32) -> (i32, i32) {
    %c0_i32 = arith.constant 0 : i32
    %c0_i32_0 = arith.constant 0 : i32
    %c0_i32_1 = arith.constant 0 : i32
    return %c0_i32, %c0_i32_0 : i32, i32
  }
  func.func @transform_3(%arg0: i32) -> (i32, i32) {
    %c0_i32 = arith.constant 0 : i32
    %c0_i32_0 = arith.constant 0 : i32
    %c0_i32_1 = arith.constant 0 : i32
    return %c0_i32, %c0_i32_0 : i32, i32
  }
  func.func @transform_4(%arg0: i32) -> (i32, i32) {
    %c0_i32 = arith.constant 0 : i32
    %c0_i32_0 = arith.constant 0 : i32
    %c0_i32_1 = arith.constant 0 : i32
    return %c0_i32, %c0_i32_0 : i32, i32
  }
  func.func @transform_5(%arg0: i32) -> (i32, i32) {
    %c0_i32 = arith.constant 0 : i32
    %c0_i32_0 = arith.constant 0 : i32
    return %arg0, %c0_i32 : i32, i32
  }
}

</mosaic_0001>

<sc_bundles>
// kernel: _run.10.cloned.1.call-start
scs
__scs_entry_jumppad:
0x0: {  	(pc) =	sbr.rel $0x88, $3  }
0x1: {  	(tag) =	ssettag $0x0;
	lr =	simm.s32 $0x1  }
0x2: {  	[smem:$0x3F97] =	sst lr;
	_ =	strace $0xD0000000  }
0x3: {  	_ = 	snop  }
0x4: {  	_ = 	snop  }
0x5: {  	_ = 	snop  }
0x6: {  	_ = 	snop  }
0x7: {  	_ = 	snop  }
__scs_overlays_trampoline_lowered:
0x8: {  	[smem:$0x3FA6] =	sst s0  }
0x9: {  	[smem:$0x3FA7] =	sst s1  }
0xa: {  	[smem:$0x3FA8] =	sst s2  }
0xb: {  	[smem:$0x3FA9] =	sst s3  }
0xc: {  	[smem:$0x3FAA] =	sst s4  }
0xd: {  	[smem:$0x3FAB] =	sst s5  }
0xe: {  	[smem:$0x3FAC] =	sst s6  }
0xf: {  	[smem:$0x3FAD] =	sst s7  }
0x10: {  	[smem:$0x3FAE] =	sst s8  }
0x11: {  	[smem:$0x3FAF] =	sst s9;
	s0 =	simm.s32 @!p0 $0x0  }
0x12: {  	s1 =	sld [smem:$0x3F95];
	s0 =	simm.s32 @p0 $0x1  }
0x13: {  	[smem:$0x3FB0] =	sst s0;
	s0 =	simm.s32 @!p1 $0x0  }
0x14: {  	s2 =	sld [smem:$0x3F94];
	s0 =	simm.s32 @p1 $0x1  }
0x15: {  	[smem:$0x3FB1] =	sst s0;
	s0 =	simm.s32 @!p2 $0x0  }
0x16: {  	s3 =	sld [smem:$0x3FDB];
	s0 =	simm.s32 @p2 $0x1  }
0x17: {  	s4 =	simm.s32 $0x1BF5;
	[smem:$0x3FB3] =	sst s0  }
0x18: {  	s0 =	sld [smem:$0x3F96];
	_ =	swait.ge [sflag:s4], $0x0  }
0x19: {  	s7 =	sld [smem:$0x3F97]  }
0x1a: {  	s8 =	sadd.s32 $0xFFFFE003, lr  }
0x1b: {  	s9 =	sadd.s32 $0xFFFFFEF7, lr;
	s5 =	simm.s32 $0xFFFFFFFF;
	p2 =	slt.u32 s8, $0xFFFFF086  }
0x1c: {  	p1 =	slt.u32 s9, $0xF7A;
	s5 =	simm.s32 @!p2 $0x0  }
0x1d: {  	s5 =	simm.s32 @p1 $0x1;
	p0 =	seq.s32 s7, s2  }
0x1e: {  	s7 =	smul.u32 @!p0 $0xF7A, s2;
	p2 =	seq.s32 @!p0 s5, $0x0  }
0x1f: {  	s9 =	smul.u32 $0xF7A, s1;
	s8 =	simm.s32 @!p0 $0x1BF5;
	p2 =	por !p2, p0  }
0x20: {  	[sflag:s8] =	ssyncset.s32 @!p0 $0xFFFFF086;
	s6 =	sadd.s32 @!p0 s3, s7;
	s7 =	simm.s32 @!p0 $0x108  }
0x21: {  	s3 =	sadd.s32 s3, s9;
	s6 =	sadd.s32 @!p0 $0x88, s6;
	s7 =	simm.s32 @p2 $0x1082  }
0x22: {  	[simem:s7], [sflag:s8] =	dma.local @!p0 [hbm:s6], $0xF7A  }
0x23: {  	s9 =	sor.u32 $0xD0000000, s2;
	s6 =	simm.s32 $0x108;
	_ =	swait.ge @!p0 [sflag:s8], $0x0  }
0x24: {  	s3 =	sadd.s32 $0x88, s3;
	s6 =	simm.s32 @!p1 $0x1082;
	[sflag:s4] =	ssyncset.s32 $0xFFFFF086  }
0x25: {  	[simem:s6], [sflag:s4] =	dma.local [hbm:s3], $0xF7A  }
0x26: {  	[smem:$0x3F97] =	sst s1;
	(tag) =	ssettag s2;
	_ =	strace s9  }
0x27: {  	s1 =	sld [smem:$0x3FA7]  }
0x28: {  	s2 =	sld [smem:$0x3FA8]  }
0x29: {  	s4 =	sld [smem:$0x3FAA]  }
0x2a: {  	p0 =	seq.s32 s5, $0x0;
	s5 =	sld [smem:$0x3FAB]  }
0x2b: {  	s6 =	sld [smem:$0x3FAC]  }
0x2c: {  	s7 =	sld [smem:$0x3FAD]  }
0x2d: {  	s3 =	simm.s32 $0x108;
	s8 =	sld [smem:$0x3FAE]  }
0x2e: {  	s3 =	simm.s32 @!p0 $0x1082;
	s9 =	sld [smem:$0x3FAF]  }
0x2f: {  	lr =	sadd.s32 s0, s3;
	s0 =	sld [smem:$0x3FA6]  }
0x30: {  	s3 =	sld [smem:$0x3FA9]  }
0x31: {  	[smem:$0x3FB2] =	sst s10  }
0x32: {  	s10 =	sld [smem:$0x3FB0];
	_ =	sdelay $0x3  }
0x33: {  	p0 =	seq.s32 s10, $0x1;
	s10 =	sld [smem:$0x3FB2];
	_ =	sdelay $0x3  }
0x34: {  	[smem:$0x3FB2] =	sst s10  }
0x35: {  	s10 =	sld [smem:$0x3FB1];
	_ =	sdelay $0x3  }
0x36: {  	p1 =	seq.s32 s10, $0x1;
	s10 =	sld [smem:$0x3FB2];
	_ =	sdelay $0x3  }
0x37: {  	[smem:$0x3FB2] =	sst s10  }
0x38: {  	s10 =	sld [smem:$0x3FB3]  }
0x39: {  	_ = 	snop;
	(pc) =	sbr.ind lr, $3  }
0x3a: {  	_ = 	snop  }
0x3b: {  	_ = 	snop  }
0x3c: {  	p2 =	seq.s32 s10, $0x1;
	s10 =	sld [smem:$0x3FB2]  }
0x3d: {  	_ =	shalt  }
0x3e: {  	_ =	shalt  }
0x3f: {  	_ =	shalt  }
0x40: {  	_ =	shalt  }
0x41: {  	_ =	shalt  }
0x42: {  	_ =	shalt  }
0x43: {  	_ =	shalt  }
0x44: {  	_ =	shalt  }
0x45: {  	_ =	shalt  }
0x46: {  	_ =	shalt  }
0x47: {  	_ =	shalt  }
0x48: {  	_ =	shalt  }
0x49: {  	_ =	shalt  }
0x4a: {  	_ =	shalt  }
0x4b: {  	_ =	shalt  }
0x4c: {  	_ =	shalt  }
0x4d: {  	_ =	shalt  }
0x4e: {  	_ =	shalt  }
0x4f: {  	_ =	shalt  }
0x50: {  	_ =	shalt  }
0x51: {  	_ =	shalt  }
0x52: {  	_ =	shalt  }
0x53: {  	_ =	shalt  }
0x54: {  	_ =	shalt  }
0x55: {  	_ =	shalt  }
0x56: {  	_ =	shalt  }
0x57: {  	_ =	shalt  }
0x58: {  	_ =	shalt  }
0x59: {  	_ =	shalt  }
0x5a: {  	_ =	shalt  }
0x5b: {  	_ =	shalt  }
0x5c: {  	_ =	shalt  }
0x5d: {  	_ =	shalt  }
0x5e: {  	_ =	shalt  }
0x5f: {  	_ =	shalt  }
0x60: {  	_ =	shalt  }
0x61: {  	_ =	shalt  }
0x62: {  	_ =	shalt  }
0x63: {  	_ =	shalt  }
0x64: {  	_ =	shalt  }
0x65: {  	_ =	shalt  }
0x66: {  	_ =	shalt  }
0x67: {  	_ =	shalt  }
0x68: {  	_ =	shalt  }
0x69: {  	_ =	shalt  }
0x6a: {  	_ =	shalt  }
0x6b: {  	_ =	shalt  }
0x6c: {  	_ =	shalt  }
0x6d: {  	_ =	shalt  }
0x6e: {  	_ =	shalt  }
0x6f: {  	_ =	shalt  }
0x70: {  	_ =	shalt  }
0x71: {  	_ =	shalt  }
0x72: {  	_ =	shalt  }
0x73: {  	_ =	shalt  }
0x74: {  	_ =	shalt  }
0x75: {  	_ =	shalt  }
0x76: {  	_ =	shalt  }
0x77: {  	_ =	shalt  }
0x78: {  	_ =	shalt  }
0x79: {  	_ =	shalt  }
0x7a: {  	_ =	shalt  }
0x7b: {  	_ =	shalt  }
0x7c: {  	_ =	shalt  }
0x7d: {  	_ =	shalt  }
0x7e: {  	_ =	shalt  }
0x7f: {  	_ =	shalt  }
0x80: {  	_ =	shalt  }
0x81: {  	_ =	shalt  }
0x82: {  	_ =	shalt  }
0x83: {  	_ =	shalt  }
0x84: {  	_ =	shalt  }
0x85: {  	_ =	shalt  }
0x86: {  	_ =	shalt  }
0x87: {  	_ =	shalt  }
.Lfunc_end0:
.L_simem_size_0:
called_computation_lowered:
.L_overlay_start_0:
0x88: {  	s2 =	sld [smem:$0x3FD9]  }
0x89: {  	s3 =	sld [smem:$0x3FFE];
	_ =	sdelay $0x1  }
0x8a: {  	s1 =	srdreg.scid  }
0x8b: {  	s0 =	sand.u32 $0x1, s1  }
0x8c: {  	s17 =	sshll.u32 s0, $0xA;
	s2 =	sadd.s32 s3, s2  }
0x8d: {  	s2 =	sadd.s32 s2, s17  }
0x8e: {  	[smem:$0x3FBE] =	sst s2  }
0x8f: {  	_ = 	snop  }
0x90: {  	s2 =	sld [smem:$0x3FD0];
	(tm) =	ssettm $0x1  }
0x91: {  	s18 =	sld [smem:$0x3FFB];
	_ =	sdelay $0x3  }
0x92: {  	_ =	strace s18  }
0x93: {  	s3 =	sld [smem:$0x3FFC];
	_ =	sdelay $0x3  }
0x94: {  	_ =	strace s3  }
0x95: {  	s3 =	sld [smem:$0x3FFD];
	_ =	sdelay $0x3  }
0x96: {  	_ =	strace s3  }
0x97: {  	_ =	strace $0x8FFFFFFF  }
0x98: {  	s19 =	sld [smem:$0x3FDB];
	_ =	sdelay $0x1  }
0x99: {  	s4 =	simm.s32 $_scs_section_size  }
0x9a: {  	s5 =	simm.s32 $_size__tile_overlayer_lowered;
	s6 =	simm.s32 $_tile_overlayer_lowered  }
0x9b: {  	s22 =	simm.s32 $0x1BFF;
	s21 =	sshll.u32 s6, $0x1;
	s3 =	sadd.s32 s4, s19  }
0x9c: {  	s7 =	simm.s32 $0x0;
	s20 =	sshll.u32 s5, $0x1;
	s5 =	sadd.s32 s21, s3  }
0x9d: {  	[timem:s7], [sflag:s22] =	dma.local [hbm:s5], s20  }
0x9e: {  	_ =	swait.ge [sflag:s22], s20  }
0x9f: {  	s4 =	ssub.s32 $0x0, s20;
	[sflag:s22] =	ssyncset.done $0x0  }
0xa0: {  	[sflag:s22] =	ssyncadd.s32 s4;
	_ =	sdelay $0x1  }
0xa1: {  	s23 =	simm.s32 $0x1B8B  }
0xa2: {  	_ =	swait.ge [sflag:s23], $0x1  }
0xa3: {  	[sflag:s23] =	ssyncset.done $0x0  }
0xa4: {  	s25 =	simm.s32 $0x1B8E;
	s24 =	sld [smem:$0x3FFE];
	[sflag:s23] =	ssyncadd.s32 $0xFFFFFFFF  }
0xa5: {  	s26 =	simm.s32 $execute0_lowered;
	[smem:$0x3FD2] =	sst s25  }
0xa6: {  	s5 =	sshll.u32 s26, $0x1;
	_ =	strace $0x80000046;
	[dreg:$0x1] =	wrdreg $0xFFFFFFFF  }
0xa7: {  	s28 =	simm.s32 $_size_execute0_lowered;
	s3 =	sadd.s32 s3, s5;
	[dreg:$0x0] =	wrdreg $0x0  }
0xa8: {  	s5 =	sshll.u32 s28, $0x1;
	[dreg:$0x2] =	wrdreg s3  }
0xa9: {  	[dreg:$0x3] =	wrdreg s5  }
0xaa: {  	[dreg:$0x4] =	wrdreg $0xC0  }
0xab: {  	_ =	task [dreg:s7], $0x5FFFF  }
0xac: {  	[dreg:$0x1] =	wrdreg $0xFFFFFFFF  }
0xad: {  	[dreg:$0x0] =	wrdreg $0x60  }
0xae: {  	[dreg:$0x2] =	wrdreg s24  }
0xaf: {  	[dreg:$0x3] =	wrdreg s2  }
0xb0: {  	[dreg:$0x4] =	wrdreg $0x28800  }
0xb1: {  	[dreg:$0x5] =	wrdreg $0x9  }
0xb2: {  	_ =	task.clear_ibuf [dreg:s7], $0x6FFFF;
	_ =	strace $0x90000046  }
0xb3: {  	s29 =	simm.s32 $0x9;
	_ =	strace $0x80000048  }
0xb4: {  	_ =	swait.ge [sflag:s29], $0x1  }
0xb5: {  	[sflag:s29] =	ssyncadd.s32 $0xFFFFFFFF  }
0xb6: {  	_ =	strace $0x90000048  }
0xb7: {  	_ =	sfence  }
0xb8: {  	s30 =	sld [smem:$0x0];
	_ =	sdelay $0x2  }
0xb9: {  	s31 =	sshll.u32 s1, $0xD;
	s1 =	sshrl.u32 s1, $0x2  }
0xba: {  	s3 =	sand.u32 $0x4000, s31;
	s1 =	sadd.s32 s1, s30  }
0xbb: {  	s0 =	sor.u32 s3, s0;
	s1 =	sshll.u32 s1, $0x11  }
0xbc: {  	s0 =	sor.u32 s1, s0  }
0xbd: {  	s0 =	sadd.s32 $0x8F2B, s0  }
0xbe: {  	[sflag:s0] =	ssyncadd.remote.s32 $0x1  }
0xbf: {  	_ =	sfence.sel $0xFFFF  }
0xc0: {  	[dreg:$0x0] =	wrdreg $0xFFFFFFFF;
	(pc) =	sbr.abs _section_cstart, $3  }
0xc1: {  	[dreg:$0x1] =	wrdreg $0xFFFFFFFF  }
0xc2: {  	_ =	task.clear_ibuf [dreg:s7], $0x2FFFF;
	_ =	strace $0x9FFFFFFF  }
0xc3: {  	(tm) =	ssettm $0x7FFFFFFF  }
tec
execute0_lowered:
.L_overlay_start_1:
0x0: {  	(tag) =	ssettag $0x1  }
0x1: {  	s4 =	rddreg [dreg:$0x0]  }
0x2: {  	s7 =	rddreg [dreg:$0x1]  }
0x3: {  	s2 =	rddreg [dreg:$0x2]  }
0x4: {  	s0 =	rddreg [dreg:$0x3];
	s5 =	srdreg.scid  }
0x5: {  	s1 =	stileid.u32;
	s3 =	simm.s32 $0x0;
	s12 =	simm.s32 $0x2800  }
0x6: {  	s13 =	simm.s32 $0x0;
	s5 =	sand.u32 $0x1, s5;
	s6 =	sshll.u32 s1, $0x1  }
0x7: {  	[smem:$0x7FF] =	sst s3;
	s8 =	smul.u32 $0x280, s1;
	s31 =	sshll.u32 s1, $0x6  }
0x8: {  	s6 =	sor.u32 s5, s6;
	s10 =	ssub.s32 $0x2, s5;
	s5 =	smul.u32 $0x2800, s5  }
0x9: {  	_ =	strace $0x80000047;
	s6 =	smul.u32 $0x500, s6;
	s9 =	sshrl.u32 s8, $0x3  }
0xa: {  	s29 =	sshrl.u32 s10, $0x1;
	s30 =	sadd.s32 s8, s2;
	s5 =	sadd.s32 s8, s5  }
0xb: {  	s6 =	sadd.s32 s6, s4;
	s4 =	sadd.s32 s9, s4;
	s9 =	ssub.s32 s10, s29  }
0xc: {  	s11 =	sshrl.u32 s5, $0x3;
	s5 =	sor.u32 $0x1C01, s31;
	s10 =	simm.s32 $0x1  }
0xd: {  	s4 =	sadd.s32 $0xB600, s4;
	s6 =	sadd.s32 $0x1600, s6;
	s7 =	sadd.s32 s7, s11  }
0xe: {  	v0 =	vimm.f32 $1.000000000e+00;
	s8 =	smax.u32 s9, $0x1;
	s9 =	sshrl.u32 s30, $0x3;
	s11 =	simm.s32 $0x80  }
.LBB2_1:
0xf: {  	[spmem:s9], [sflag:s5] =	dma.local [hbm:s4], $0x50  }
0x10: {  	_ =	swait.ge [sflag:s10], $0x50  }
0x11: {  	[sflag:s10] =	ssyncset.done $0x0  }
0x12: {  	[sflag:s10] =	ssyncadd.s32 $0xFFFFFFB0  }
0x13: {  	[tilespmem:$0x2800] =	vst v0  }
0x14: {  	[tilespmem:$0x2810] =	vst v0  }
0x15: {  	[tilespmem:$0x2820] =	vst v0  }
0x16: {  	[tilespmem:$0x2830] =	vst v0  }
0x17: {  	[tilespmem:$0x2840] =	vst v0  }
0x18: {  	[tilespmem:$0x2850] =	vst v0  }
0x19: {  	[tilespmem:$0x2860] =	vst v0  }
0x1a: {  	[tilespmem:$0x2870] =	vst v0  }
0x1b: {  	[tilespmem:s3], [sflag:$0x1] =	stream.linear.gather [hbm4b:s6+s3], $0x2800, $0x38;
	[tilespmem:$0x2B00] =	vst v63  }
0x1c: {  	_ =	swait.ge [sflag:s10], $0x2800  }
0x1d: {  	[sflag:s10] =	ssyncset.done $0x0  }
0x1e: {  	[sflag:s10] =	ssyncadd.s32 $0xFFFFD800  }
0x1f: {  	s14 =	simm.s32 $0x0;
	[bflag:$0x0] =	sbarrier.arrive $0xFFFF  }
0x20: {  	[spmem:s2] =	stream.indirect.scatter.add.f32 [tilespmem:s12], [sflag:$0x1], $0x1, s14, s11, $0xb8;
	[tilespmem:$0x2B00] =	vst v63  }
0x21: {  	_ =	swait.ge [sflag:s10], $0x80  }
0x22: {  	s14 =	simm.s32 $0x200;
	[sflag:s10] =	ssyncset.done $0x0  }
.LBB2_2:
0x23: {  	s15 =	sshra.s32 s14, $0x2;
	[sflag:s10] =	ssyncadd.s32 $0xFFFFFF80;
	p0 =	sne.s32 s14, $0x9E00  }
0x24: {  	[spmem:s2] =	stream.indirect.scatter.add.f32 [tilespmem:s12], [sflag:$0x1], $0x1, s15, s11, $0xb8;
	[tilespmem:$0x2B00] =	vst v63  }
.Ltmp0:
0x25: {  	_ = 	snop;
	(pc) =	sbr.rel @p0 .LBB2_2-.Ltmp0, $4  }
0x26: {  	_ = 	snop  }
0x27: {  	s14 =	sadd.s32 $0x200, s14  }
0x28: {  	_ =	swait.ge [sflag:s10], $0x80  }
0x29: {  	[sflag:s10] =	ssyncset.done $0x0  }
0x2a: {  	s13 =	sadd.s32 $0x1, s13  }
0x2b: {  	[sflag:s10] =	ssyncadd.s32 $0xFFFFFF80;
	p0 =	sne.s32 s13, s8  }
.Ltmp1:
0x2c: {  	[bflag:$0x0] =	sbarrier.arrive $0xFFFF;
	(pc) =	sbr.rel @p0 .LBB2_1-.Ltmp1, $4  }
0x2d: {  	[hbm:s7], [sflag:s5] =	dma.local [spmem:s9], $0x50  }
0x2e: {  	_ =	swait.ge [sflag:s10], $0x50  }
0x2f: {  	[sflag:s10] =	ssyncset.done $0x0  }
0x30: {  	[sflag:s10] =	ssyncadd.s32 $0xFFFFFFB0  }
0x31: {  	_ =	sfence.sel $0x180000  }
0x32: {  	[bflag:$0x0] =	sbarrier.arrive $0xFFFF  }
0x33: {  	p0 =	sne.s32 s1, $0x0;
	_ =	strace $0x90000047  }
0x34: {  	s0 =	sadd.s32 @!p0 $0x100000, s0;
	[bflag:$0x2] =	sbarrier.arrive $0xFFFF  }
0x35: {  	[sflag:s0] =	ssyncadd.tile.s32 @!p0 $0x1;
	_ =	shalt  }
.Lfunc_end2:
_tile_overlayer_lowered:
.L_overlay_start_2:
0x36: {  	(tag) =	ssettag $0x2  }
0x37: {  	s0 =	rddreg [dreg:$0x0];
	s2 =	stileid.u32  }
0x38: {  	s1 =	rddreg [dreg:$0x1];
	p0 =	sne.s32 s2, $0x0  }
0x39: {  	s3 =	rddreg [dreg:$0x2];
	[bflag:$0x3] =	sbarrier.arrive $0xFFFF;
	s2 =	simm.s32 @!p0 $0x1C01  }
0x3a: {  	[timem:s3], [sflag:s2] =	dma.local @!p0 [hbm:s0], s1  }
0x3b: {  	s0 =	simm.s32 @!p0 $0x1  }
0x3c: {  	_ =	swait.ge @!p0 [sflag:s0], s1  }
0x3d: {  	s1 =	ssub.s32 @!p0 $0x0, s1;
	[sflag:s0] =	ssyncset.done @!p0 $0x0  }
0x3e: {  	[sflag:s0] =	ssyncadd.s32 @!p0 s1  }
0x3f: {  	[bflag:$0x3] =	sbarrier.arrive $0xFFFF  }
0x40: {  	_ =	shalt  }

// kernel: _run.13.cloned.1.call-start
scs
__scs_entry_jumppad:
0x0: {  	(pc) =	sbr.rel $0x88, $3  }
0x1: {  	(tag) =	ssettag $0x0;
	lr =	simm.s32 $0x1  }
0x2: {  	[smem:$0x3F97] =	sst lr;
	_ =	strace $0xD0000000  }
0x3: {  	_ = 	snop  }
0x4: {  	_ = 	snop  }
0x5: {  	_ = 	snop  }
0x6: {  	_ = 	snop  }
0x7: {  	_ = 	snop  }
__scs_overlays_trampoline_lowered:
0x8: {  	[smem:$0x3FA6] =	sst s0  }
0x9: {  	[smem:$0x3FA7] =	sst s1  }
0xa: {  	[smem:$0x3FA8] =	sst s2  }
0xb: {  	[smem:$0x3FA9] =	sst s3  }
0xc: {  	[smem:$0x3FAA] =	sst s4  }
0xd: {  	[smem:$0x3FAB] =	sst s5  }
0xe: {  	[smem:$0x3FAC] =	sst s6  }
0xf: {  	[smem:$0x3FAD] =	sst s7  }
0x10: {  	[smem:$0x3FAE] =	sst s8  }
0x11: {  	[smem:$0x3FAF] =	sst s9;
	s0 =	simm.s32 @!p0 $0x0  }
0x12: {  	s1 =	sld [smem:$0x3F95];
	s0 =	simm.s32 @p0 $0x1  }
0x13: {  	[smem:$0x3FB0] =	sst s0;
	s0 =	simm.s32 @!p1 $0x0  }
0x14: {  	s2 =	sld [smem:$0x3F94];
	s0 =	simm.s32 @p1 $0x1  }
0x15: {  	[smem:$0x3FB1] =	sst s0;
	s0 =	simm.s32 @!p2 $0x0  }
0x16: {  	s3 =	sld [smem:$0x3FDB];
	s0 =	simm.s32 @p2 $0x1  }
0x17: {  	s4 =	simm.s32 $0x1BF5;
	[smem:$0x3FB3] =	sst s0  }
0x18: {  	s0 =	sld [smem:$0x3F96];
	_ =	swait.ge [sflag:s4], $0x0  }
0x19: {  	s7 =	sld [smem:$0x3F97]  }
0x1a: {  	s8 =	sadd.s32 $0xFFFFE003, lr  }
0x1b: {  	s9 =	sadd.s32 $0xFFFFFEF7, lr;
	s5 =	simm.s32 $0xFFFFFFFF;
	p2 =	slt.u32 s8, $0xFFFFF086  }
0x1c: {  	p1 =	slt.u32 s9, $0xF7A;
	s5 =	simm.s32 @!p2 $0x0  }
0x1d: {  	s5 =	simm.s32 @p1 $0x1;
	p0 =	seq.s32 s7, s2  }
0x1e: {  	s7 =	smul.u32 @!p0 $0xF7A, s2;
	p2 =	seq.s32 @!p0 s5, $0x0  }
0x1f: {  	s9 =	smul.u32 $0xF7A, s1;
	s8 =	simm.s32 @!p0 $0x1BF5;
	p2 =	por !p2, p0  }
0x20: {  	[sflag:s8] =	ssyncset.s32 @!p0 $0xFFFFF086;
	s6 =	sadd.s32 @!p0 s3, s7;
	s7 =	simm.s32 @!p0 $0x108  }
0x21: {  	s3 =	sadd.s32 s3, s9;
	s6 =	sadd.s32 @!p0 $0x88, s6;
	s7 =	simm.s32 @p2 $0x1082  }
0x22: {  	[simem:s7], [sflag:s8] =	dma.local @!p0 [hbm:s6], $0xF7A  }
0x23: {  	s9 =	sor.u32 $0xD0000000, s2;
	s6 =	simm.s32 $0x108;
	_ =	swait.ge @!p0 [sflag:s8], $0x0  }
0x24: {  	s3 =	sadd.s32 $0x88, s3;
	s6 =	simm.s32 @!p1 $0x1082;
	[sflag:s4] =	ssyncset.s32 $0xFFFFF086  }
0x25: {  	[simem:s6], [sflag:s4] =	dma.local [hbm:s3], $0xF7A  }
0x26: {  	[smem:$0x3F97] =	sst s1;
	(tag) =	ssettag s2;
	_ =	strace s9  }
0x27: {  	s1 =	sld [smem:$0x3FA7]  }
0x28: {  	s2 =	sld [smem:$0x3FA8]  }
0x29: {  	s4 =	sld [smem:$0x3FAA]  }
0x2a: {  	p0 =	seq.s32 s5, $0x0;
	s5 =	sld [smem:$0x3FAB]  }
0x2b: {  	s6 =	sld [smem:$0x3FAC]  }
0x2c: {  	s7 =	sld [smem:$0x3FAD]  }
0x2d: {  	s3 =	simm.s32 $0x108;
	s8 =	sld [smem:$0x3FAE]  }
0x2e: {  	s3 =	simm.s32 @!p0 $0x1082;
	s9 =	sld [smem:$0x3FAF]  }
0x2f: {  	lr =	sadd.s32 s0, s3;
	s0 =	sld [smem:$0x3FA6]  }
0x30: {  	s3 =	sld [smem:$0x3FA9]  }
0x31: {  	[smem:$0x3FB2] =	sst s10  }
0x32: {  	s10 =	sld [smem:$0x3FB0];
	_ =	sdelay $0x3  }
0x33: {  	p0 =	seq.s32 s10, $0x1;
	s10 =	sld [smem:$0x3FB2];
	_ =	sdelay $0x3  }
0x34: {  	[smem:$0x3FB2] =	sst s10  }
0x35: {  	s10 =	sld [smem:$0x3FB1];
	_ =	sdelay $0x3  }
0x36: {  	p1 =	seq.s32 s10, $0x1;
	s10 =	sld [smem:$0x3FB2];
	_ =	sdelay $0x3  }
0x37: {  	[smem:$0x3FB2] =	sst s10  }
0x38: {  	s10 =	sld [smem:$0x3FB3]  }
0x39: {  	_ = 	snop;
	(pc) =	sbr.ind lr, $3  }
0x3a: {  	_ = 	snop  }
0x3b: {  	_ = 	snop  }
0x3c: {  	p2 =	seq.s32 s10, $0x1;
	s10 =	sld [smem:$0x3FB2]  }
0x3d: {  	_ =	shalt  }
0x3e: {  	_ =	shalt  }
0x3f: {  	_ =	shalt  }
0x40: {  	_ =	shalt  }
0x41: {  	_ =	shalt  }
0x42: {  	_ =	shalt  }
0x43: {  	_ =	shalt  }
0x44: {  	_ =	shalt  }
0x45: {  	_ =	shalt  }
0x46: {  	_ =	shalt  }
0x47: {  	_ =	shalt  }
0x48: {  	_ =	shalt  }
0x49: {  	_ =	shalt  }
0x4a: {  	_ =	shalt  }
0x4b: {  	_ =	shalt  }
0x4c: {  	_ =	shalt  }
0x4d: {  	_ =	shalt  }
0x4e: {  	_ =	shalt  }
0x4f: {  	_ =	shalt  }
0x50: {  	_ =	shalt  }
0x51: {  	_ =	shalt  }
0x52: {  	_ =	shalt  }
0x53: {  	_ =	shalt  }
0x54: {  	_ =	shalt  }
0x55: {  	_ =	shalt  }
0x56: {  	_ =	shalt  }
0x57: {  	_ =	shalt  }
0x58: {  	_ =	shalt  }
0x59: {  	_ =	shalt  }
0x5a: {  	_ =	shalt  }
0x5b: {  	_ =	shalt  }
0x5c: {  	_ =	shalt  }
0x5d: {  	_ =	shalt  }
0x5e: {  	_ =	shalt  }
0x5f: {  	_ =	shalt  }
0x60: {  	_ =	shalt  }
0x61: {  	_ =	shalt  }
0x62: {  	_ =	shalt  }
0x63: {  	_ =	shalt  }
0x64: {  	_ =	shalt  }
0x65: {  	_ =	shalt  }
0x66: {  	_ =	shalt  }
0x67: {  	_ =	shalt  }
0x68: {  	_ =	shalt  }
0x69: {  	_ =	shalt  }
0x6a: {  	_ =	shalt  }
0x6b: {  	_ =	shalt  }
0x6c: {  	_ =	shalt  }
0x6d: {  	_ =	shalt  }
0x6e: {  	_ =	shalt  }
0x6f: {  	_ =	shalt  }
0x70: {  	_ =	shalt  }
0x71: {  	_ =	shalt  }
0x72: {  	_ =	shalt  }
0x73: {  	_ =	shalt  }
0x74: {  	_ =	shalt  }
0x75: {  	_ =	shalt  }
0x76: {  	_ =	shalt  }
0x77: {  	_ =	shalt  }
0x78: {  	_ =	shalt  }
0x79: {  	_ =	shalt  }
0x7a: {  	_ =	shalt  }
0x7b: {  	_ =	shalt  }
0x7c: {  	_ =	shalt  }
0x7d: {  	_ =	shalt  }
0x7e: {  	_ =	shalt  }
0x7f: {  	_ =	shalt  }
0x80: {  	_ =	shalt  }
0x81: {  	_ =	shalt  }
0x82: {  	_ =	shalt  }
0x83: {  	_ =	shalt  }
0x84: {  	_ =	shalt  }
0x85: {  	_ =	shalt  }
0x86: {  	_ =	shalt  }
0x87: {  	_ =	shalt  }
.Lfunc_end0:
.L_simem_size_0:
called_computation.1_lowered:
.L_overlay_start_0:
0x88: {  	s2 =	sld [smem:$0x3FD9]  }
0x89: {  	s3 =	sld [smem:$0x3FFE];
	_ =	sdelay $0x1  }
0x8a: {  	s1 =	srdreg.scid  }
0x8b: {  	s0 =	sand.u32 $0x1, s1  }
0x8c: {  	s16 =	sshll.u32 s0, $0xA;
	s2 =	sadd.s32 s3, s2  }
0x8d: {  	s2 =	sadd.s32 s2, s16  }
0x8e: {  	[smem:$0x3FBE] =	sst s2  }
0x8f: {  	_ = 	snop  }
0x90: {  	(tm) =	ssettm $0x1  }
0x91: {  	s17 =	sld [smem:$0x3FFB];
	_ =	sdelay $0x3  }
0x92: {  	_ =	strace s17  }
0x93: {  	s2 =	sld [smem:$0x3FFC];
	_ =	sdelay $0x3  }
0x94: {  	_ =	strace s2  }
0x95: {  	s2 =	sld [smem:$0x3FFD];
	_ =	sdelay $0x3  }
0x96: {  	_ =	strace s2  }
0x97: {  	_ =	strace $0x8FFFFFFF  }
0x98: {  	s18 =	sld [smem:$0x3FDB];
	_ =	sdelay $0x1  }
0x99: {  	s19 =	simm.s32 $_scs_section_size  }
0x9a: {  	s4 =	simm.s32 $_size__tile_overlayer_lowered;
	s5 =	simm.s32 $_tile_overlayer_lowered  }
0x9b: {  	s22 =	simm.s32 $0x1BFF;
	s21 =	sshll.u32 s5, $0x1;
	s2 =	sadd.s32 s19, s18  }
0x9c: {  	s6 =	simm.s32 $0x0;
	s20 =	sshll.u32 s4, $0x1;
	s4 =	sadd.s32 s21, s2  }
0x9d: {  	[timem:s6], [sflag:s22] =	dma.local [hbm:s4], s20  }
0x9e: {  	_ =	swait.ge [sflag:s22], s20  }
0x9f: {  	s3 =	ssub.s32 $0x0, s20;
	[sflag:s22] =	ssyncset.done $0x0  }
0xa0: {  	[sflag:s22] =	ssyncadd.s32 s3;
	_ =	sdelay $0x1  }
0xa1: {  	s23 =	simm.s32 $0x1B8B  }
0xa2: {  	_ =	swait.ge [sflag:s23], $0x1  }
0xa3: {  	[sflag:s23] =	ssyncset.done $0x0  }
0xa4: {  	s25 =	simm.s32 $0x1B8E;
	s24 =	sld [smem:$0x3FFE];
	[sflag:s23] =	ssyncadd.s32 $0xFFFFFFFF  }
0xa5: {  	s26 =	simm.s32 $execute0_lowered;
	[smem:$0x3FD2] =	sst s25  }
0xa6: {  	s4 =	sshll.u32 s26, $0x1;
	_ =	strace $0x80000049;
	[dreg:$0x1] =	wrdreg $0xFFFFFFFF  }
0xa7: {  	s28 =	simm.s32 $_size_execute0_lowered;
	s2 =	sadd.s32 s2, s4;
	[dreg:$0x0] =	wrdreg $0x0  }
0xa8: {  	s4 =	sshll.u32 s28, $0x1;
	[dreg:$0x2] =	wrdreg s2  }
0xa9: {  	[dreg:$0x3] =	wrdreg s4  }
0xaa: {  	[dreg:$0x4] =	wrdreg $0xC0  }
0xab: {  	_ =	task [dreg:s6], $0x5FFFF  }
0xac: {  	[dreg:$0x1] =	wrdreg $0xFFFFFFFF  }
0xad: {  	[dreg:$0x0] =	wrdreg $0x60  }
0xae: {  	[dreg:$0x2] =	wrdreg s24  }
0xaf: {  	[dreg:$0x3] =	wrdreg $0x70000  }
0xb0: {  	[dreg:$0x4] =	wrdreg $0x110000  }
0xb1: {  	[dreg:$0x5] =	wrdreg $0x9  }
0xb2: {  	_ =	task.clear_ibuf [dreg:s6], $0x6FFFF;
	_ =	strace $0x90000049  }
0xb3: {  	s29 =	simm.s32 $0x9;
	_ =	strace $0x8000004B  }
0xb4: {  	_ =	swait.ge [sflag:s29], $0x1  }
0xb5: {  	[sflag:s29] =	ssyncadd.s32 $0xFFFFFFFF  }
0xb6: {  	_ =	strace $0x9000004B  }
0xb7: {  	_ =	sfence  }
0xb8: {  	s30 =	sld [smem:$0x0];
	_ =	sdelay $0x2  }
0xb9: {  	s31 =	sshll.u32 s1, $0xD;
	s1 =	sshrl.u32 s1, $0x2  }
0xba: {  	s3 =	sand.u32 $0x4000, s31;
	s1 =	sadd.s32 s1, s30  }
0xbb: {  	s0 =	sor.u32 s3, s0;
	s1 =	sshll.u32 s1, $0x11  }
0xbc: {  	s0 =	sor.u32 s1, s0  }
0xbd: {  	s0 =	sadd.s32 $0x8F2B, s0  }
0xbe: {  	[sflag:s0] =	ssyncadd.remote.s32 $0x1  }
0xbf: {  	_ =	sfence.sel $0xFFFF  }
0xc0: {  	[dreg:$0x0] =	wrdreg $0xFFFFFFFF;
	(pc) =	sbr.abs _section_cstart, $3  }
0xc1: {  	[dreg:$0x1] =	wrdreg $0xFFFFFFFF  }
0xc2: {  	_ =	task.clear_ibuf [dreg:s6], $0x2FFFF;
	_ =	strace $0x9FFFFFFF  }
0xc3: {  	(tm) =	ssettm $0x7FFFFFFF  }
tec
execute0_lowered:
.L_overlay_start_1:
0x0: {  	(tag) =	ssettag $0x1  }
0x1: {  	s5 =	rddreg [dreg:$0x0]  }
0x2: {  	s1 =	rddreg [dreg:$0x1]  }
0x3: {  	s2 =	rddreg [dreg:$0x2]  }
0x4: {  	s3 =	srdreg.scid;
	s0 =	rddreg [dreg:$0x3];
	s4 =	simm.s32 $0x0  }
0x5: {  	s16 =	simm.s32 $0x2800;
	s17 =	simm.s32 $0x80;
	s18 =	simm.s32 $0x5000  }
0x6: {  	s19 =	simm.s32 $0x1;
	s6 =	sand.u32 $0x1, s3;
	s3 =	stileid.u32  }
0x7: {  	s20 =	simm.s32 $0x0;
	[smem:$0x7FF] =	sst s4;
	s7 =	smul.u32 $0xA0000, s6  }
0x8: {  	s9 =	sadd.s32 $0xBC00, s5;
	s10 =	sadd.s32 $0x1600, s5;
	s8 =	smul.u32 $0xA000, s3  }
0x9: {  	_ =	strace $0x8000004A;
	s6 =	ssub.s32 $0x2, s6;
	s29 =	smul.u32 $0x5000, s3  }
0xa: {  	s30 =	sshll.u32 s3, $0x6;
	s11 =	sshrl.u32 s6, $0x1;
	s7 =	sadd.s32 s8, s7  }
0xb: {  	s13 =	ssub.s32 s6, s11;
	s14 =	sadd.s32 s8, s1;
	s6 =	sor.u32 $0x1C02, s30  }
0xc: {  	s15 =	sadd.s32 s8, s2;
	s31 =	sshrl.u32 s29, $0x3;
	s7 =	sshrl.u32 s7, $0x3  }
0xd: {  	s8 =	sadd.s32 s10, s31;
	s11 =	sadd.s32 $0x500, s31;
	s15 =	sshrl.u32 s15, $0x3  }
0xe: {  	s12 =	sadd.s32 s7, s5;
	s7 =	sadd.s32 s9, s31;
	s9 =	sadd.s32 s9, s11  }
0xf: {  	s10 =	sadd.s32 s10, s11;
	s5 =	sadd.s32 $0x15C00, s12;
	s11 =	sadd.s32 $0x3DC00, s12  }
0x10: {  	s12 =	smax.u32 s13, $0x1;
	s13 =	sshrl.u32 s14, $0x3;
	s14 =	simm.s32 $0x2  }
.LBB2_1:
0x11: {  	[spmem:s13], [sflag:s6] =	dma.local [hbm:s5], $0x1400  }
0x12: {  	_ =	swait.ge [sflag:s14], $0x1400  }
0x13: {  	[sflag:s14] =	ssyncset.done $0x0  }
0x14: {  	[sflag:s14] =	ssyncadd.s32 $0xFFFFEC00  }
0x15: {  	[spmem:s15], [sflag:s6] =	dma.local [hbm:s5], $0x1400  }
0x16: {  	_ =	swait.ge [sflag:s14], $0x1400  }
0x17: {  	[sflag:s14] =	ssyncset.done $0x0  }
0x18: {  	[sflag:s14] =	ssyncadd.s32 $0xFFFFEC00  }
0x19: {  	[bflag:$0x0] =	sbarrier.arrive $0xFFFF  }
0x1a: {  	[tilespmem:s4], [sflag:$0x2] =	stream.linear.gather [hbm4b:s7+s4], $0x2800, $0x38;
	[tilespmem:$0x1B000] =	vst v63  }
0x1b: {  	_ =	swait.ge [sflag:s14], $0x2800  }
0x1c: {  	[sflag:s14] =	ssyncset.done $0x0  }
0x1d: {  	[sflag:s14] =	ssyncadd.s32 $0xFFFFD800  }
0x1e: {  	[tilespmem:s16], [sflag:$0x2] =	stream.linear.gather [hbm4b:s8+s4], $0x2800, $0x38;
	[tilespmem:$0x1B000] =	vst v63  }
0x1f: {  	_ =	swait.ge [sflag:s14], $0x2800  }
0x20: {  	[sflag:s14] =	ssyncset.done $0x0  }
0x21: {  	s21 =	simm.s32 $0x0;
	[sflag:s14] =	ssyncadd.s32 $0xFFFFD800  }
0x22: {  	[tilespmem:s18], [sflag:$0x1] =	stream.indirect.gather [spmem:s1], $0x40, s21, s17, $0xb8;
	[tilespmem:$0x1B000] =	vst v63  }
0x23: {  	_ =	swait.ge [sflag:s19], $0x2000  }
0x24: {  	[sflag:s19] =	ssyncset.done $0x0  }
0x25: {  	s31 =	simm.s32 $0x2800;
	[sflag:s19] =	ssyncadd.s32 $0xFFFFE000  }
0x26: {  	[spmem:s2] =	stream.indirect.scatter.add.f32 [tilespmem:s18], [sflag:$0x2], $0x40, s31, s17, $0xb8;
	[tilespmem:$0x1B000] =	vst v63  }
0x27: {  	_ =	swait.ge [sflag:s14], $0x2000  }
0x28: {  	s22 =	simm.s32 $0x400;
	s21 =	simm.s32 $0x200;
	[sflag:s14] =	ssyncset.done $0x0  }
.LBB2_2:
0x29: {  	s23 =	sshra.s32 s21, $0x2  }
0x2a: {  	[sflag:s14] =	ssyncadd.s32 $0xFFFFE000;
	s21 =	smov.u32 s22;
	s24 =	sadd.s32 $0x200, s22  }
0x2b: {  	[tilespmem:s18], [sflag:$0x1] =	stream.indirect.gather [spmem:s1], $0x40, s23, s17, $0xb8;
	[tilespmem:$0x1B000] =	vst v63  }
0x2c: {  	p0 =	sne.s32 s22, $0x9E00;
	_ =	swait.ge [sflag:s19], $0x2000  }
.Ltmp0:
0x2d: {  	[sflag:s19] =	ssyncset.done $0x0;
	(pc) =	sbr.rel @p0 .LBB2_2-.Ltmp0, $4  }
0x2e: {  	s22 =	sadd.s32 $0x2800, s23;
	[sflag:s19] =	ssyncadd.s32 $0xFFFFE000  }
0x2f: {  	[spmem:s2] =	stream.indirect.scatter.add.f32 [tilespmem:s18], [sflag:$0x2], $0x40, s22, s17, $0xb8;
	[tilespmem:$0x1B000] =	vst v63  }
0x30: {  	_ =	swait.ge [sflag:s14], $0x2000  }
0x31: {  	s22 =	smov.u32 s24;
	[sflag:s14] =	ssyncset.done $0x0  }
0x32: {  	s21 =	sshra.s32 s21, $0x2;
	[sflag:s14] =	ssyncadd.s32 $0xFFFFE000  }
0x33: {  	[tilespmem:s18], [sflag:$0x1] =	stream.indirect.gather [spmem:s1], $0x40, s21, s17, $0xb8;
	[tilespmem:$0x1B000] =	vst v63  }
0x34: {  	_ =	swait.ge [sflag:s19], $0x2000  }
0x35: {  	[sflag:s19] =	ssyncset.done $0x0  }
0x36: {  	s21 =	sadd.s32 $0x2800, s21;
	[sflag:s19] =	ssyncadd.s32 $0xFFFFE000  }
0x37: {  	[spmem:s2] =	stream.indirect.scatter.add.f32 [tilespmem:s18], [sflag:$0x2], $0x40, s21, s17, $0xb8;
	[tilespmem:$0x1B000] =	vst v63  }
0x38: {  	_ =	swait.ge [sflag:s14], $0x2000  }
0x39: {  	[sflag:s14] =	ssyncset.done $0x0  }
0x3a: {  	s29 =	simm.s32 $0x0;
	[sflag:s14] =	ssyncadd.s32 $0xFFFFE000  }
0x3b: {  	[tilespmem:s29], [sflag:$0x2] =	stream.linear.gather [hbm4b:s9+s29], $0x2800, $0x38;
	[tilespmem:$0x1B000] =	vst v63  }
0x3c: {  	_ =	swait.ge [sflag:s14], $0x2800  }
0x3d: {  	[sflag:s14] =	ssyncset.done $0x0  }
0x3e: {  	[sflag:s14] =	ssyncadd.s32 $0xFFFFD800  }
0x3f: {  	[tilespmem:s16], [sflag:$0x2] =	stream.linear.gather [hbm4b:s10+s29], $0x2800, $0x38;
	[tilespmem:$0x1B000] =	vst v63  }
0x40: {  	_ =	swait.ge [sflag:s14], $0x2800  }
0x41: {  	[sflag:s14] =	ssyncset.done $0x0  }
0x42: {  	s30 =	simm.s32 $0x0;
	[sflag:s14] =	ssyncadd.s32 $0xFFFFD800  }
0x43: {  	[tilespmem:s18], [sflag:$0x1] =	stream.indirect.gather [spmem:s1], $0x40, s30, s17, $0xb8;
	[tilespmem:$0x1B000] =	vst v63  }
0x44: {  	_ =	swait.ge [sflag:s19], $0x2000  }
0x45: {  	[sflag:s19] =	ssyncset.done $0x0  }
0x46: {  	s31 =	simm.s32 $0x2800;
	[sflag:s19] =	ssyncadd.s32 $0xFFFFE000  }
0x47: {  	[spmem:s2] =	stream.indirect.scatter.add.f32 [tilespmem:s18], [sflag:$0x2], $0x40, s31, s17, $0xb8;
	[tilespmem:$0x1B000] =	vst v63  }
0x48: {  	_ =	swait.ge [sflag:s14], $0x2000  }
0x49: {  	s22 =	simm.s32 $0x400;
	s21 =	simm.s32 $0x200;
	[sflag:s14] =	ssyncset.done $0x0  }
.LBB2_4:
0x4a: {  	s23 =	sshra.s32 s21, $0x2  }
0x4b: {  	[sflag:s14] =	ssyncadd.s32 $0xFFFFE000;
	s21 =	smov.u32 s22;
	s24 =	sadd.s32 $0x200, s22  }
0x4c: {  	[tilespmem:s18], [sflag:$0x1] =	stream.indirect.gather [spmem:s1], $0x40, s23, s17, $0xb8;
	[tilespmem:$0x1B000] =	vst v63  }
0x4d: {  	p0 =	sne.s32 s22, $0x9E00;
	_ =	swait.ge [sflag:s19], $0x2000  }
.Ltmp1:
0x4e: {  	[sflag:s19] =	ssyncset.done $0x0;
	(pc) =	sbr.rel @p0 .LBB2_4-.Ltmp1, $4  }
0x4f: {  	s22 =	sadd.s32 $0x2800, s23;
	[sflag:s19] =	ssyncadd.s32 $0xFFFFE000  }
0x50: {  	[spmem:s2] =	stream.indirect.scatter.add.f32 [tilespmem:s18], [sflag:$0x2], $0x40, s22, s17, $0xb8;
	[tilespmem:$0x1B000] =	vst v63  }
0x51: {  	_ =	swait.ge [sflag:s14], $0x2000  }
0x52: {  	s22 =	smov.u32 s24;
	[sflag:s14] =	ssyncset.done $0x0  }
0x53: {  	s21 =	sshra.s32 s21, $0x2;
	[sflag:s14] =	ssyncadd.s32 $0xFFFFE000  }
0x54: {  	[tilespmem:s18], [sflag:$0x1] =	stream.indirect.gather [spmem:s1], $0x40, s21, s17, $0xb8;
	[tilespmem:$0x1B000] =	vst v63  }
0x55: {  	_ =	swait.ge [sflag:s19], $0x2000  }
0x56: {  	[sflag:s19] =	ssyncset.done $0x0  }
0x57: {  	s21 =	sadd.s32 $0x2800, s21;
	[sflag:s19] =	ssyncadd.s32 $0xFFFFE000  }
0x58: {  	[spmem:s2] =	stream.indirect.scatter.add.f32 [tilespmem:s18], [sflag:$0x2], $0x40, s21, s17, $0xb8;
	[tilespmem:$0x1B000] =	vst v63  }
0x59: {  	_ =	swait.ge [sflag:s14], $0x2000  }
0x5a: {  	s20 =	sadd.s32 $0x1, s20;
	[sflag:s14] =	ssyncset.done $0x0  }
0x5b: {  	p0 =	sne.s32 s20, s12;
	[sflag:s14] =	ssyncadd.s32 $0xFFFFE000  }
.Ltmp2:
0x5c: {  	[bflag:$0x0] =	sbarrier.arrive $0xFFFF;
	(pc) =	sbr.rel @p0 .LBB2_1-.Ltmp2, $4  }
0x5d: {  	[hbm:s11], [sflag:s6] =	dma.local [spmem:s15], $0x1400  }
0x5e: {  	_ =	swait.ge [sflag:s14], $0x1400  }
0x5f: {  	[sflag:s14] =	ssyncset.done $0x0  }
0x60: {  	[sflag:s14] =	ssyncadd.s32 $0xFFFFEC00  }
0x61: {  	_ =	sfence.sel $0x180000  }
0x62: {  	[bflag:$0x0] =	sbarrier.arrive $0xFFFF  }
0x63: {  	p0 =	sne.s32 s3, $0x0;
	_ =	strace $0x9000004A  }
0x64: {  	s0 =	sadd.s32 @!p0 $0x100000, s0;
	[bflag:$0x2] =	sbarrier.arrive $0xFFFF  }
0x65: {  	[sflag:s0] =	ssyncadd.tile.s32 @!p0 $0x1;
	_ =	shalt  }
.Lfunc_end2:
_tile_overlayer_lowered:
.L_overlay_start_2:
0x66: {  	(tag) =	ssettag $0x2  }
0x67: {  	s0 =	rddreg [dreg:$0x0];
	s2 =	stileid.u32  }
0x68: {  	s1 =	rddreg [dreg:$0x1];
	p0 =	sne.s32 s2, $0x0  }
0x69: {  	s3 =	rddreg [dreg:$0x2];
	[bflag:$0x3] =	sbarrier.arrive $0xFFFF;
	s2 =	simm.s32 @!p0 $0x1C02  }
0x6a: {  	[timem:s3], [sflag:s2] =	dma.local @!p0 [hbm:s0], s1  }
0x6b: {  	s0 =	simm.s32 @!p0 $0x2  }
0x6c: {  	_ =	swait.ge @!p0 [sflag:s0], s1  }
0x6d: {  	s1 =	ssub.s32 @!p0 $0x0, s1;
	[sflag:s0] =	ssyncset.done @!p0 $0x0  }
0x6e: {  	[sflag:s0] =	ssyncadd.s32 @!p0 s1  }
0x6f: {  	[bflag:$0x3] =	sbarrier.arrive $0xFFFF  }
0x70: {  	_ =	shalt  }

// kernel: _run.16.cloned.1.call-start
scs
__scs_entry_jumppad:
0x0: {  	(pc) =	sbr.rel $0x88, $3  }
0x1: {  	(tag) =	ssettag $0x0;
	lr =	simm.s32 $0x1  }
0x2: {  	[smem:$0x3F97] =	sst lr;
	_ =	strace $0xD0000000  }
0x3: {  	_ = 	snop  }
0x4: {  	_ = 	snop  }
0x5: {  	_ = 	snop  }
0x6: {  	_ = 	snop  }
0x7: {  	_ = 	snop  }
__scs_overlays_trampoline_lowered:
0x8: {  	[smem:$0x3FA6] =	sst s0  }
0x9: {  	[smem:$0x3FA7] =	sst s1  }
0xa: {  	[smem:$0x3FA8] =	sst s2  }
0xb: {  	[smem:$0x3FA9] =	sst s3  }
0xc: {  	[smem:$0x3FAA] =	sst s4  }
0xd: {  	[smem:$0x3FAB] =	sst s5  }
0xe: {  	[smem:$0x3FAC] =	sst s6  }
0xf: {  	[smem:$0x3FAD] =	sst s7  }
0x10: {  	[smem:$0x3FAE] =	sst s8  }
0x11: {  	[smem:$0x3FAF] =	sst s9;
	s0 =	simm.s32 @!p0 $0x0  }
0x12: {  	s1 =	sld [smem:$0x3F95];
	s0 =	simm.s32 @p0 $0x1  }
0x13: {  	[smem:$0x3FB0] =	sst s0;
	s0 =	simm.s32 @!p1 $0x0  }
0x14: {  	s2 =	sld [smem:$0x3F94];
	s0 =	simm.s32 @p1 $0x1  }
0x15: {  	[smem:$0x3FB1] =	sst s0;
	s0 =	simm.s32 @!p2 $0x0  }
0x16: {  	s3 =	sld [smem:$0x3FDB];
	s0 =	simm.s32 @p2 $0x1  }
0x17: {  	s4 =	simm.s32 $0x1BF5;
	[smem:$0x3FB3] =	sst s0  }
0x18: {  	s0 =	sld [smem:$0x3F96];
	_ =	swait.ge [sflag:s4], $0x0  }
0x19: {  	s7 =	sld [smem:$0x3F97]  }
0x1a: {  	s8 =	sadd.s32 $0xFFFFE003, lr  }
0x1b: {  	s9 =	sadd.s32 $0xFFFFFEF7, lr;
	s5 =	simm.s32 $0xFFFFFFFF;
	p2 =	slt.u32 s8, $0xFFFFF086  }
0x1c: {  	p1 =	slt.u32 s9, $0xF7A;
	s5 =	simm.s32 @!p2 $0x0  }
0x1d: {  	s5 =	simm.s32 @p1 $0x1;
	p0 =	seq.s32 s7, s2  }
0x1e: {  	s7 =	smul.u32 @!p0 $0xF7A, s2;
	p2 =	seq.s32 @!p0 s5, $0x0  }
0x1f: {  	s9 =	smul.u32 $0xF7A, s1;
	s8 =	simm.s32 @!p0 $0x1BF5;
	p2 =	por !p2, p0  }
0x20: {  	[sflag:s8] =	ssyncset.s32 @!p0 $0xFFFFF086;
	s6 =	sadd.s32 @!p0 s3, s7;
	s7 =	simm.s32 @!p0 $0x108  }
0x21: {  	s3 =	sadd.s32 s3, s9;
	s6 =	sadd.s32 @!p0 $0x88, s6;
	s7 =	simm.s32 @p2 $0x1082  }
0x22: {  	[simem:s7], [sflag:s8] =	dma.local @!p0 [hbm:s6], $0xF7A  }
0x23: {  	s9 =	sor.u32 $0xD0000000, s2;
	s6 =	simm.s32 $0x108;
	_ =	swait.ge @!p0 [sflag:s8], $0x0  }
0x24: {  	s3 =	sadd.s32 $0x88, s3;
	s6 =	simm.s32 @!p1 $0x1082;
	[sflag:s4] =	ssyncset.s32 $0xFFFFF086  }
0x25: {  	[simem:s6], [sflag:s4] =	dma.local [hbm:s3], $0xF7A  }
0x26: {  	[smem:$0x3F97] =	sst s1;
	(tag) =	ssettag s2;
	_ =	strace s9  }
0x27: {  	s1 =	sld [smem:$0x3FA7]  }
0x28: {  	s2 =	sld [smem:$0x3FA8]  }
0x29: {  	s4 =	sld [smem:$0x3FAA]  }
0x2a: {  	p0 =	seq.s32 s5, $0x0;
	s5 =	sld [smem:$0x3FAB]  }
0x2b: {  	s6 =	sld [smem:$0x3FAC]  }
0x2c: {  	s7 =	sld [smem:$0x3FAD]  }
0x2d: {  	s3 =	simm.s32 $0x108;
	s8 =	sld [smem:$0x3FAE]  }
0x2e: {  	s3 =	simm.s32 @!p0 $0x1082;
	s9 =	sld [smem:$0x3FAF]  }
0x2f: {  	lr =	sadd.s32 s0, s3;
	s0 =	sld [smem:$0x3FA6]  }
0x30: {  	s3 =	sld [smem:$0x3FA9]  }
0x31: {  	[smem:$0x3FB2] =	sst s10  }
0x32: {  	s10 =	sld [smem:$0x3FB0];
	_ =	sdelay $0x3  }
0x33: {  	p0 =	seq.s32 s10, $0x1;
	s10 =	sld [smem:$0x3FB2];
	_ =	sdelay $0x3  }
0x34: {  	[smem:$0x3FB2] =	sst s10  }
0x35: {  	s10 =	sld [smem:$0x3FB1];
	_ =	sdelay $0x3  }
0x36: {  	p1 =	seq.s32 s10, $0x1;
	s10 =	sld [smem:$0x3FB2];
	_ =	sdelay $0x3  }
0x37: {  	[smem:$0x3FB2] =	sst s10  }
0x38: {  	s10 =	sld [smem:$0x3FB3]  }
0x39: {  	_ = 	snop;
	(pc) =	sbr.ind lr, $3  }
0x3a: {  	_ = 	snop  }
0x3b: {  	_ = 	snop  }
0x3c: {  	p2 =	seq.s32 s10, $0x1;
	s10 =	sld [smem:$0x3FB2]  }
0x3d: {  	_ =	shalt  }
0x3e: {  	_ =	shalt  }
0x3f: {  	_ =	shalt  }
0x40: {  	_ =	shalt  }
0x41: {  	_ =	shalt  }
0x42: {  	_ =	shalt  }
0x43: {  	_ =	shalt  }
0x44: {  	_ =	shalt  }
0x45: {  	_ =	shalt  }
0x46: {  	_ =	shalt  }
0x47: {  	_ =	shalt  }
0x48: {  	_ =	shalt  }
0x49: {  	_ =	shalt  }
0x4a: {  	_ =	shalt  }
0x4b: {  	_ =	shalt  }
0x4c: {  	_ =	shalt  }
0x4d: {  	_ =	shalt  }
0x4e: {  	_ =	shalt  }
0x4f: {  	_ =	shalt  }
0x50: {  	_ =	shalt  }
0x51: {  	_ =	shalt  }
0x52: {  	_ =	shalt  }
0x53: {  	_ =	shalt  }
0x54: {  	_ =	shalt  }
0x55: {  	_ =	shalt  }
0x56: {  	_ =	shalt  }
0x57: {  	_ =	shalt  }
0x58: {  	_ =	shalt  }
0x59: {  	_ =	shalt  }
0x5a: {  	_ =	shalt  }
0x5b: {  	_ =	shalt  }
0x5c: {  	_ =	shalt  }
0x5d: {  	_ =	shalt  }
0x5e: {  	_ =	shalt  }
0x5f: {  	_ =	shalt  }
0x60: {  	_ =	shalt  }
0x61: {  	_ =	shalt  }
0x62: {  	_ =	shalt  }
0x63: {  	_ =	shalt  }
0x64: {  	_ =	shalt  }
0x65: {  	_ =	shalt  }
0x66: {  	_ =	shalt  }
0x67: {  	_ =	shalt  }
0x68: {  	_ =	shalt  }
0x69: {  	_ =	shalt  }
0x6a: {  	_ =	shalt  }
0x6b: {  	_ =	shalt  }
0x6c: {  	_ =	shalt  }
0x6d: {  	_ =	shalt  }
0x6e: {  	_ =	shalt  }
0x6f: {  	_ =	shalt  }
0x70: {  	_ =	shalt  }
0x71: {  	_ =	shalt  }
0x72: {  	_ =	shalt  }
0x73: {  	_ =	shalt  }
0x74: {  	_ =	shalt  }
0x75: {  	_ =	shalt  }
0x76: {  	_ =	shalt  }
0x77: {  	_ =	shalt  }
0x78: {  	_ =	shalt  }
0x79: {  	_ =	shalt  }
0x7a: {  	_ =	shalt  }
0x7b: {  	_ =	shalt  }
0x7c: {  	_ =	shalt  }
0x7d: {  	_ =	shalt  }
0x7e: {  	_ =	shalt  }
0x7f: {  	_ =	shalt  }
0x80: {  	_ =	shalt  }
0x81: {  	_ =	shalt  }
0x82: {  	_ =	shalt  }
0x83: {  	_ =	shalt  }
0x84: {  	_ =	shalt  }
0x85: {  	_ =	shalt  }
0x86: {  	_ =	shalt  }
0x87: {  	_ =	shalt  }
.Lfunc_end0:
.L_simem_size_0:
called_computation.2_lowered:
.L_overlay_start_0:
0x88: {  	s2 =	sld [smem:$0x3FD9]  }
0x89: {  	s3 =	sld [smem:$0x3FFE];
	_ =	sdelay $0x1  }
0x8a: {  	s1 =	srdreg.scid  }
0x8b: {  	s0 =	sand.u32 $0x1, s1  }
0x8c: {  	s16 =	sshll.u32 s0, $0xA;
	s2 =	sadd.s32 s3, s2  }
0x8d: {  	s2 =	sadd.s32 s2, s16  }
0x8e: {  	[smem:$0x3FBE] =	sst s2  }
0x8f: {  	_ = 	snop  }
0x90: {  	(tm) =	ssettm $0x1  }
0x91: {  	s17 =	sld [smem:$0x3FFB];
	_ =	sdelay $0x3  }
0x92: {  	_ =	strace s17  }
0x93: {  	s2 =	sld [smem:$0x3FFC];
	_ =	sdelay $0x3  }
0x94: {  	_ =	strace s2  }
0x95: {  	s2 =	sld [smem:$0x3FFD];
	_ =	sdelay $0x3  }
0x96: {  	_ =	strace s2  }
0x97: {  	_ =	strace $0x8FFFFFFF  }
0x98: {  	s18 =	sld [smem:$0x3FDB];
	_ =	sdelay $0x1  }
0x99: {  	s19 =	simm.s32 $_scs_section_size  }
0x9a: {  	s4 =	simm.s32 $_size__tile_overlayer_lowered;
	s5 =	simm.s32 $_tile_overlayer_lowered  }
0x9b: {  	s22 =	simm.s32 $0x1BFF;
	s21 =	sshll.u32 s5, $0x1;
	s2 =	sadd.s32 s19, s18  }
0x9c: {  	s6 =	simm.s32 $0x0;
	s20 =	sshll.u32 s4, $0x1;
	s4 =	sadd.s32 s21, s2  }
0x9d: {  	[timem:s6], [sflag:s22] =	dma.local [hbm:s4], s20  }
0x9e: {  	_ =	swait.ge [sflag:s22], s20  }
0x9f: {  	s3 =	ssub.s32 $0x0, s20;
	[sflag:s22] =	ssyncset.done $0x0  }
0xa0: {  	[sflag:s22] =	ssyncadd.s32 s3;
	_ =	sdelay $0x1  }
0xa1: {  	s23 =	simm.s32 $0x1B8B  }
0xa2: {  	_ =	swait.ge [sflag:s23], $0x1  }
0xa3: {  	[sflag:s23] =	ssyncset.done $0x0  }
0xa4: {  	s25 =	simm.s32 $0x1B8E;
	s24 =	sld [smem:$0x3FFE];
	[sflag:s23] =	ssyncadd.s32 $0xFFFFFFFF  }
0xa5: {  	s26 =	simm.s32 $execute0_lowered;
	[smem:$0x3FD2] =	sst s25  }
0xa6: {  	s4 =	sshll.u32 s26, $0x1;
	_ =	strace $0x8000004C;
	[dreg:$0x1] =	wrdreg $0xFFFFFFFF  }
0xa7: {  	s28 =	simm.s32 $_size_execute0_lowered;
	s2 =	sadd.s32 s2, s4;
	[dreg:$0x0] =	wrdreg $0x0  }
0xa8: {  	s4 =	sshll.u32 s28, $0x1;
	[dreg:$0x2] =	wrdreg s2  }
0xa9: {  	[dreg:$0x3] =	wrdreg s4  }
0xaa: {  	[dreg:$0x4] =	wrdreg $0xC0  }
0xab: {  	_ =	task [dreg:s6], $0x5FFFF  }
0xac: {  	[dreg:$0x1] =	wrdreg $0xFFFFFFFF  }
0xad: {  	[dreg:$0x0] =	wrdreg $0x60  }
0xae: {  	[dreg:$0x2] =	wrdreg s24  }
0xaf: {  	[dreg:$0x3] =	wrdreg $0x70000  }
0xb0: {  	[dreg:$0x4] =	wrdreg $0x110000  }
0xb1: {  	[dreg:$0x5] =	wrdreg $0x9  }
0xb2: {  	_ =	task.clear_ibuf [dreg:s6], $0x6FFFF;
	_ =	strace $0x9000004C  }
0xb3: {  	s29 =	simm.s32 $0x9;
	_ =	strace $0x8000004E  }
0xb4: {  	_ =	swait.ge [sflag:s29], $0x1  }
0xb5: {  	[sflag:s29] =	ssyncadd.s32 $0xFFFFFFFF  }
0xb6: {  	_ =	strace $0x9000004E  }
0xb7: {  	_ =	sfence  }
0xb8: {  	s30 =	sld [smem:$0x0];
	_ =	sdelay $0x2  }
0xb9: {  	s31 =	sshll.u32 s1, $0xD;
	s1 =	sshrl.u32 s1, $0x2  }
0xba: {  	s3 =	sand.u32 $0x4000, s31;
	s1 =	sadd.s32 s1, s30  }
0xbb: {  	s0 =	sor.u32 s3, s0;
	s1 =	sshll.u32 s1, $0x11  }
0xbc: {  	s0 =	sor.u32 s1, s0  }
0xbd: {  	s0 =	sadd.s32 $0x8F2B, s0  }
0xbe: {  	[sflag:s0] =	ssyncadd.remote.s32 $0x1  }
0xbf: {  	_ =	sfence.sel $0xFFFF  }
0xc0: {  	[dreg:$0x0] =	wrdreg $0xFFFFFFFF;
	(pc) =	sbr.abs _section_cstart, $3  }
0xc1: {  	[dreg:$0x1] =	wrdreg $0xFFFFFFFF  }
0xc2: {  	_ =	task.clear_ibuf [dreg:s6], $0x2FFFF;
	_ =	strace $0x9FFFFFFF  }
0xc3: {  	(tm) =	ssettm $0x7FFFFFFF  }
tec
execute0_lowered:
.L_overlay_start_1:
0x0: {  	(tag) =	ssettag $0x1  }
0x1: {  	s5 =	rddreg [dreg:$0x0]  }
0x2: {  	s2 =	rddreg [dreg:$0x1]  }
0x3: {  	s3 =	rddreg [dreg:$0x2]  }
0x4: {  	s0 =	rddreg [dreg:$0x3]  }
0x5: {  	s1 =	stileid.u32;
	s6 =	srdreg.scid  }
0x6: {  	s4 =	simm.s32 $0x0;
	s16 =	simm.s32 $0x80;
	s17 =	simm.s32 $0x5000  }
0x7: {  	s18 =	simm.s32 $0x1;
	s19 =	simm.s32 $0x0;
	s7 =	smul.u32 $0xA000, s1  }
0x8: {  	s8 =	sand.u32 $0x1, s6;
	[smem:$0x7FF] =	sst s4;
	s29 =	sshll.u32 s1, $0x1  }
0x9: {  	s31 =	sshll.u32 s1, $0x6;
	s9 =	smul.u32 $0xA0000, s8;
	_ =	strace $0x8000004D  }
0xa: {  	s6 =	sor.u32 s8, s29;
	s11 =	ssub.s32 $0x2, s8;
	p0 =	seq.s32 s8, $0x1  }
0xb: {  	s10 =	sshrl.u32 s7, $0x3;
	s6 =	smul.u32 $0x500, s6;
	s30 =	sshrl.u32 s11, $0x1  }
0xc: {  	s13 =	sadd.s32 s7, s2;
	s14 =	sadd.s32 s7, s3;
	s9 =	sadd.s32 s7, s9  }
0xd: {  	s10 =	sadd.s32 s10, s5;
	s11 =	ssub.s32 s11, s30;
	s14 =	sshrl.u32 s14, $0x3  }
0xe: {  	s9 =	sshrl.u32 s9, $0x3;
	s12 =	sadd.s32 s6, s5;
	s6 =	sor.u32 $0x1C02, s31  }
0xf: {  	s15 =	sadd.s32 $0x29C00, s10;
	s9 =	sadd.s32 s9, s5;
	s5 =	sadd.s32 $0x15C00, s10  }
0x10: {  	s7 =	sadd.s32 $0xBC00, s12;
	s8 =	sadd.s32 $0x1600, s12;
	s10 =	smax.u32 s11, $0x1  }
0x11: {  	s12 =	sshrl.u32 s13, $0x3;
	s13 =	simm.s32 $0x2;
	s11 =	smov.u32 s5  }
0x12: {  	s9 =	sadd.s32 $0x3DC00, s9;
	s11 =	smov.u32 @p0 s15;
	s15 =	simm.s32 $0x2800  }
.LBB2_1:
0x13: {  	[spmem:s12], [sflag:s6] =	dma.local [hbm:s5], $0x1400  }
0x14: {  	_ =	swait.ge [sflag:s13], $0x1400  }
0x15: {  	[sflag:s13] =	ssyncset.done $0x0  }
0x16: {  	[sflag:s13] =	ssyncadd.s32 $0xFFFFEC00  }
0x17: {  	[spmem:s14], [sflag:s6] =	dma.local [hbm:s11], $0x1400  }
0x18: {  	_ =	swait.ge [sflag:s13], $0x1400  }
0x19: {  	[sflag:s13] =	ssyncset.done $0x0  }
0x1a: {  	[sflag:s13] =	ssyncadd.s32 $0xFFFFEC00  }
0x1b: {  	[tilespmem:s4], [sflag:$0x2] =	stream.linear.gather [hbm4b:s7+s4], $0x2800, $0x38;
	[tilespmem:$0x1B000] =	vst v63  }
0x1c: {  	_ =	swait.ge [sflag:s13], $0x2800  }
0x1d: {  	[sflag:s13] =	ssyncset.done $0x0  }
0x1e: {  	[sflag:s13] =	ssyncadd.s32 $0xFFFFD800  }
0x1f: {  	[tilespmem:s15], [sflag:$0x2] =	stream.linear.gather [hbm4b:s8+s4], $0x2800, $0x38;
	[tilespmem:$0x1B000] =	vst v63  }
0x20: {  	_ =	swait.ge [sflag:s13], $0x2800  }
0x21: {  	[sflag:s13] =	ssyncset.done $0x0  }
0x22: {  	[sflag:s13] =	ssyncadd.s32 $0xFFFFD800  }
0x23: {  	s20 =	simm.s32 $0x0;
	[bflag:$0x0] =	sbarrier.arrive $0xFFFF  }
0x24: {  	[tilespmem:s17], [sflag:$0x1] =	stream.indirect.gather [spmem:s2], $0x40, s20, s16, $0xb8;
	[tilespmem:$0x1B000] =	vst v63  }
0x25: {  	_ =	swait.ge [sflag:s18], $0x2000  }
0x26: {  	[sflag:s18] =	ssyncset.done $0x0  }
0x27: {  	s31 =	simm.s32 $0x2800;
	[sflag:s18] =	ssyncadd.s32 $0xFFFFE000  }
0x28: {  	[spmem:s3] =	stream.indirect.scatter.add.f32 [tilespmem:s17], [sflag:$0x2], $0x40, s31, s16, $0xb8;
	[tilespmem:$0x1B000] =	vst v63  }
0x29: {  	_ =	swait.ge [sflag:s13], $0x2000  }
0x2a: {  	s21 =	simm.s32 $0x400;
	s20 =	simm.s32 $0x200;
	[sflag:s13] =	ssyncset.done $0x0  }
.LBB2_2:
0x2b: {  	s22 =	sshra.s32 s20, $0x2  }
0x2c: {  	[sflag:s13] =	ssyncadd.s32 $0xFFFFE000;
	s20 =	smov.u32 s21;
	s23 =	sadd.s32 $0x200, s21  }
0x2d: {  	[tilespmem:s17], [sflag:$0x1] =	stream.indirect.gather [spmem:s2], $0x40, s22, s16, $0xb8;
	[tilespmem:$0x1B000] =	vst v63  }
0x2e: {  	p0 =	sne.s32 s21, $0x9E00;
	_ =	swait.ge [sflag:s18], $0x2000  }
.Ltmp0:
0x2f: {  	[sflag:s18] =	ssyncset.done $0x0;
	(pc) =	sbr.rel @p0 .LBB2_2-.Ltmp0, $4  }
0x30: {  	s21 =	sadd.s32 $0x2800, s22;
	[sflag:s18] =	ssyncadd.s32 $0xFFFFE000  }
0x31: {  	[spmem:s3] =	stream.indirect.scatter.add.f32 [tilespmem:s17], [sflag:$0x2], $0x40, s21, s16, $0xb8;
	[tilespmem:$0x1B000] =	vst v63  }
0x32: {  	_ =	swait.ge [sflag:s13], $0x2000  }
0x33: {  	s21 =	smov.u32 s23;
	[sflag:s13] =	ssyncset.done $0x0  }
0x34: {  	s20 =	sshra.s32 s20, $0x2;
	[sflag:s13] =	ssyncadd.s32 $0xFFFFE000  }
0x35: {  	[tilespmem:s17], [sflag:$0x1] =	stream.indirect.gather [spmem:s2], $0x40, s20, s16, $0xb8;
	[tilespmem:$0x1B000] =	vst v63  }
0x36: {  	_ =	swait.ge [sflag:s18], $0x2000  }
0x37: {  	[sflag:s18] =	ssyncset.done $0x0  }
0x38: {  	s20 =	sadd.s32 $0x2800, s20;
	[sflag:s18] =	ssyncadd.s32 $0xFFFFE000  }
0x39: {  	[spmem:s3] =	stream.indirect.scatter.add.f32 [tilespmem:s17], [sflag:$0x2], $0x40, s20, s16, $0xb8;
	[tilespmem:$0x1B000] =	vst v63  }
0x3a: {  	_ =	swait.ge [sflag:s13], $0x2000  }
0x3b: {  	s19 =	sadd.s32 $0x1, s19;
	[sflag:s13] =	ssyncset.done $0x0  }
0x3c: {  	p0 =	sne.s32 s19, s10;
	[sflag:s13] =	ssyncadd.s32 $0xFFFFE000  }
.Ltmp1:
0x3d: {  	[bflag:$0x0] =	sbarrier.arrive $0xFFFF;
	(pc) =	sbr.rel @p0 .LBB2_1-.Ltmp1, $4  }
0x3e: {  	[hbm:s9], [sflag:s6] =	dma.local [spmem:s14], $0x1400  }
0x3f: {  	_ =	swait.ge [sflag:s13], $0x1400  }
0x40: {  	[sflag:s13] =	ssyncset.done $0x0  }
0x41: {  	[sflag:s13] =	ssyncadd.s32 $0xFFFFEC00  }
0x42: {  	_ =	sfence.sel $0x180000  }
0x43: {  	[bflag:$0x0] =	sbarrier.arrive $0xFFFF  }
0x44: {  	p0 =	sne.s32 s1, $0x0;
	_ =	strace $0x9000004D  }
0x45: {  	s0 =	sadd.s32 @!p0 $0x100000, s0;
	[bflag:$0x2] =	sbarrier.arrive $0xFFFF  }
0x46: {  	[sflag:s0] =	ssyncadd.tile.s32 @!p0 $0x1;
	_ =	shalt  }
.Lfunc_end2:
_tile_overlayer_lowered:
.L_overlay_start_2:
0x47: {  	(tag) =	ssettag $0x2  }
0x48: {  	s0 =	rddreg [dreg:$0x0];
	s2 =	stileid.u32  }
0x49: {  	s1 =	rddreg [dreg:$0x1];
	p0 =	sne.s32 s2, $0x0  }
0x4a: {  	s3 =	rddreg [dreg:$0x2];
	[bflag:$0x3] =	sbarrier.arrive $0xFFFF;
	s2 =	simm.s32 @!p0 $0x1C02  }
0x4b: {  	[timem:s3], [sflag:s2] =	dma.local @!p0 [hbm:s0], s1  }
0x4c: {  	s0 =	simm.s32 @!p0 $0x2  }
0x4d: {  	_ =	swait.ge @!p0 [sflag:s0], s1  }
0x4e: {  	s1 =	ssub.s32 @!p0 $0x0, s1;
	[sflag:s0] =	ssyncset.done @!p0 $0x0  }
0x4f: {  	[sflag:s0] =	ssyncadd.s32 @!p0 s1  }
0x50: {  	[bflag:$0x3] =	sbarrier.arrive $0xFFFF  }
0x51: {  	_ =	shalt  }

// kernel: _run.19.cloned.1.call-start
scs
__scs_entry_jumppad:
0x0: {  	(pc) =	sbr.rel $0x88, $3  }
0x1: {  	(tag) =	ssettag $0x0;
	lr =	simm.s32 $0x1  }
0x2: {  	[smem:$0x3F97] =	sst lr;
	_ =	strace $0xD0000000  }
0x3: {  	_ = 	snop  }
0x4: {  	_ = 	snop  }
0x5: {  	_ = 	snop  }
0x6: {  	_ = 	snop  }
0x7: {  	_ = 	snop  }
__scs_overlays_trampoline_lowered:
0x8: {  	[smem:$0x3FA6] =	sst s0  }
0x9: {  	[smem:$0x3FA7] =	sst s1  }
0xa: {  	[smem:$0x3FA8] =	sst s2  }
0xb: {  	[smem:$0x3FA9] =	sst s3  }
0xc: {  	[smem:$0x3FAA] =	sst s4  }
0xd: {  	[smem:$0x3FAB] =	sst s5  }
0xe: {  	[smem:$0x3FAC] =	sst s6  }
0xf: {  	[smem:$0x3FAD] =	sst s7  }
0x10: {  	[smem:$0x3FAE] =	sst s8  }
0x11: {  	[smem:$0x3FAF] =	sst s9;
	s0 =	simm.s32 @!p0 $0x0  }
0x12: {  	s1 =	sld [smem:$0x3F95];
	s0 =	simm.s32 @p0 $0x1  }
0x13: {  	[smem:$0x3FB0] =	sst s0;
	s0 =	simm.s32 @!p1 $0x0  }
0x14: {  	s2 =	sld [smem:$0x3F94];
	s0 =	simm.s32 @p1 $0x1  }
0x15: {  	[smem:$0x3FB1] =	sst s0;
	s0 =	simm.s32 @!p2 $0x0  }
0x16: {  	s3 =	sld [smem:$0x3FDB];
	s0 =	simm.s32 @p2 $0x1  }
0x17: {  	s4 =	simm.s32 $0x1BF5;
	[smem:$0x3FB3] =	sst s0  }
0x18: {  	s0 =	sld [smem:$0x3F96];
	_ =	swait.ge [sflag:s4], $0x0  }
0x19: {  	s7 =	sld [smem:$0x3F97]  }
0x1a: {  	s8 =	sadd.s32 $0xFFFFE003, lr  }
0x1b: {  	s9 =	sadd.s32 $0xFFFFFEF7, lr;
	s5 =	simm.s32 $0xFFFFFFFF;
	p2 =	slt.u32 s8, $0xFFFFF086  }
0x1c: {  	p1 =	slt.u32 s9, $0xF7A;
	s5 =	simm.s32 @!p2 $0x0  }
0x1d: {  	s5 =	simm.s32 @p1 $0x1;
	p0 =	seq.s32 s7, s2  }
0x1e: {  	s7 =	smul.u32 @!p0 $0xF7A, s2;
	p2 =	seq.s32 @!p0 s5, $0x0  }
0x1f: {  	s9 =	smul.u32 $0xF7A, s1;
	s8 =	simm.s32 @!p0 $0x1BF5;
	p2 =	por !p2, p0  }
0x20: {  	[sflag:s8] =	ssyncset.s32 @!p0 $0xFFFFF086;
	s6 =	sadd.s32 @!p0 s3, s7;
	s7 =	simm.s32 @!p0 $0x108  }
0x21: {  	s3 =	sadd.s32 s3, s9;
	s6 =	sadd.s32 @!p0 $0x88, s6;
	s7 =	simm.s32 @p2 $0x1082  }
0x22: {  	[simem:s7], [sflag:s8] =	dma.local @!p0 [hbm:s6], $0xF7A  }
0x23: {  	s9 =	sor.u32 $0xD0000000, s2;
	s6 =	simm.s32 $0x108;
	_ =	swait.ge @!p0 [sflag:s8], $0x0  }
0x24: {  	s3 =	sadd.s32 $0x88, s3;
	s6 =	simm.s32 @!p1 $0x1082;
	[sflag:s4] =	ssyncset.s32 $0xFFFFF086  }
0x25: {  	[simem:s6], [sflag:s4] =	dma.local [hbm:s3], $0xF7A  }
0x26: {  	[smem:$0x3F97] =	sst s1;
	(tag) =	ssettag s2;
	_ =	strace s9  }
0x27: {  	s1 =	sld [smem:$0x3FA7]  }
0x28: {  	s2 =	sld [smem:$0x3FA8]  }
0x29: {  	s4 =	sld [smem:$0x3FAA]  }
0x2a: {  	p0 =	seq.s32 s5, $0x0;
	s5 =	sld [smem:$0x3FAB]  }
0x2b: {  	s6 =	sld [smem:$0x3FAC]  }
0x2c: {  	s7 =	sld [smem:$0x3FAD]  }
0x2d: {  	s3 =	simm.s32 $0x108;
	s8 =	sld [smem:$0x3FAE]  }
0x2e: {  	s3 =	simm.s32 @!p0 $0x1082;
	s9 =	sld [smem:$0x3FAF]  }
0x2f: {  	lr =	sadd.s32 s0, s3;
	s0 =	sld [smem:$0x3FA6]  }
0x30: {  	s3 =	sld [smem:$0x3FA9]  }
0x31: {  	[smem:$0x3FB2] =	sst s10  }
0x32: {  	s10 =	sld [smem:$0x3FB0];
	_ =	sdelay $0x3  }
0x33: {  	p0 =	seq.s32 s10, $0x1;
	s10 =	sld [smem:$0x3FB2];
	_ =	sdelay $0x3  }
0x34: {  	[smem:$0x3FB2] =	sst s10  }
0x35: {  	s10 =	sld [smem:$0x3FB1];
	_ =	sdelay $0x3  }
0x36: {  	p1 =	seq.s32 s10, $0x1;
	s10 =	sld [smem:$0x3FB2];
	_ =	sdelay $0x3  }
0x37: {  	[smem:$0x3FB2] =	sst s10  }
0x38: {  	s10 =	sld [smem:$0x3FB3]  }
0x39: {  	_ = 	snop;
	(pc) =	sbr.ind lr, $3  }
0x3a: {  	_ = 	snop  }
0x3b: {  	_ = 	snop  }
0x3c: {  	p2 =	seq.s32 s10, $0x1;
	s10 =	sld [smem:$0x3FB2]  }
0x3d: {  	_ =	shalt  }
0x3e: {  	_ =	shalt  }
0x3f: {  	_ =	shalt  }
0x40: {  	_ =	shalt  }
0x41: {  	_ =	shalt  }
0x42: {  	_ =	shalt  }
0x43: {  	_ =	shalt  }
0x44: {  	_ =	shalt  }
0x45: {  	_ =	shalt  }
0x46: {  	_ =	shalt  }
0x47: {  	_ =	shalt  }
0x48: {  	_ =	shalt  }
0x49: {  	_ =	shalt  }
0x4a: {  	_ =	shalt  }
0x4b: {  	_ =	shalt  }
0x4c: {  	_ =	shalt  }
0x4d: {  	_ =	shalt  }
0x4e: {  	_ =	shalt  }
0x4f: {  	_ =	shalt  }
0x50: {  	_ =	shalt  }
0x51: {  	_ =	shalt  }
0x52: {  	_ =	shalt  }
0x53: {  	_ =	shalt  }
0x54: {  	_ =	shalt  }
0x55: {  	_ =	shalt  }
0x56: {  	_ =	shalt  }
0x57: {  	_ =	shalt  }
0x58: {  	_ =	shalt  }
0x59: {  	_ =	shalt  }
0x5a: {  	_ =	shalt  }
0x5b: {  	_ =	shalt  }
0x5c: {  	_ =	shalt  }
0x5d: {  	_ =	shalt  }
0x5e: {  	_ =	shalt  }
0x5f: {  	_ =	shalt  }
0x60: {  	_ =	shalt  }
0x61: {  	_ =	shalt  }
0x62: {  	_ =	shalt  }
0x63: {  	_ =	shalt  }
0x64: {  	_ =	shalt  }
0x65: {  	_ =	shalt  }
0x66: {  	_ =	shalt  }
0x67: {  	_ =	shalt  }
0x68: {  	_ =	shalt  }
0x69: {  	_ =	shalt  }
0x6a: {  	_ =	shalt  }
0x6b: {  	_ =	shalt  }
0x6c: {  	_ =	shalt  }
0x6d: {  	_ =	shalt  }
0x6e: {  	_ =	shalt  }
0x6f: {  	_ =	shalt  }
0x70: {  	_ =	shalt  }
0x71: {  	_ =	shalt  }
0x72: {  	_ =	shalt  }
0x73: {  	_ =	shalt  }
0x74: {  	_ =	shalt  }
0x75: {  	_ =	shalt  }
0x76: {  	_ =	shalt  }
0x77: {  	_ =	shalt  }
0x78: {  	_ =	shalt  }
0x79: {  	_ =	shalt  }
0x7a: {  	_ =	shalt  }
0x7b: {  	_ =	shalt  }
0x7c: {  	_ =	shalt  }
0x7d: {  	_ =	shalt  }
0x7e: {  	_ =	shalt  }
0x7f: {  	_ =	shalt  }
0x80: {  	_ =	shalt  }
0x81: {  	_ =	shalt  }
0x82: {  	_ =	shalt  }
0x83: {  	_ =	shalt  }
0x84: {  	_ =	shalt  }
0x85: {  	_ =	shalt  }
0x86: {  	_ =	shalt  }
0x87: {  	_ =	shalt  }
.Lfunc_end0:
.L_simem_size_0:
called_computation.3_lowered:
.L_overlay_start_0:
0x88: {  	s2 =	sld [smem:$0x3FD9]  }
0x89: {  	s3 =	sld [smem:$0x3FFE];
	_ =	sdelay $0x1  }
0x8a: {  	s1 =	srdreg.scid  }
0x8b: {  	s0 =	sand.u32 $0x1, s1  }
0x8c: {  	s17 =	sshll.u32 s0, $0xA;
	s2 =	sadd.s32 s3, s2  }
0x8d: {  	s2 =	sadd.s32 s2, s17  }
0x8e: {  	[smem:$0x3FBE] =	sst s2  }
0x8f: {  	_ = 	snop  }
0x90: {  	s2 =	sld [smem:$0x3FD0];
	(tm) =	ssettm $0x1  }
0x91: {  	s18 =	sld [smem:$0x3FFB];
	_ =	sdelay $0x3  }
0x92: {  	_ =	strace s18  }
0x93: {  	s3 =	sld [smem:$0x3FFC];
	_ =	sdelay $0x3  }
0x94: {  	_ =	strace s3  }
0x95: {  	s3 =	sld [smem:$0x3FFD];
	_ =	sdelay $0x3  }
0x96: {  	_ =	strace s3  }
0x97: {  	_ =	strace $0x8FFFFFFF  }
0x98: {  	s19 =	sld [smem:$0x3FDB];
	_ =	sdelay $0x1  }
0x99: {  	s4 =	simm.s32 $_scs_section_size  }
0x9a: {  	s5 =	simm.s32 $_size__tile_overlayer_lowered;
	s6 =	simm.s32 $_tile_overlayer_lowered  }
0x9b: {  	s22 =	simm.s32 $0x1BFF;
	s21 =	sshll.u32 s6, $0x1;
	s3 =	sadd.s32 s4, s19  }
0x9c: {  	s7 =	simm.s32 $0x0;
	s20 =	sshll.u32 s5, $0x1;
	s5 =	sadd.s32 s21, s3  }
0x9d: {  	[timem:s7], [sflag:s22] =	dma.local [hbm:s5], s20  }
0x9e: {  	_ =	swait.ge [sflag:s22], s20  }
0x9f: {  	s4 =	ssub.s32 $0x0, s20;
	[sflag:s22] =	ssyncset.done $0x0  }
0xa0: {  	[sflag:s22] =	ssyncadd.s32 s4;
	_ =	sdelay $0x1  }
0xa1: {  	s23 =	simm.s32 $0x1B8B  }
0xa2: {  	_ =	swait.ge [sflag:s23], $0x1  }
0xa3: {  	[sflag:s23] =	ssyncset.done $0x0  }
0xa4: {  	s25 =	simm.s32 $0x1B8E;
	s24 =	sld [smem:$0x3FFE];
	[sflag:s23] =	ssyncadd.s32 $0xFFFFFFFF  }
0xa5: {  	s26 =	simm.s32 $execute0_lowered;
	[smem:$0x3FD2] =	sst s25  }
0xa6: {  	s5 =	sshll.u32 s26, $0x1;
	_ =	strace $0x8000004F;
	[dreg:$0x1] =	wrdreg $0xFFFFFFFF  }
0xa7: {  	s28 =	simm.s32 $_size_execute0_lowered;
	s3 =	sadd.s32 s3, s5;
	[dreg:$0x0] =	wrdreg $0x0  }
0xa8: {  	s5 =	sshll.u32 s28, $0x1;
	[dreg:$0x2] =	wrdreg s3  }
0xa9: {  	[dreg:$0x3] =	wrdreg s5  }
0xaa: {  	[dreg:$0x4] =	wrdreg $0xC0  }
0xab: {  	_ =	task [dreg:s7], $0x5FFFF  }
0xac: {  	[dreg:$0x1] =	wrdreg $0xFFFFFFFF  }
0xad: {  	[dreg:$0x0] =	wrdreg $0x60  }
0xae: {  	[dreg:$0x2] =	wrdreg s24  }
0xaf: {  	[dreg:$0x3] =	wrdreg s2  }
0xb0: {  	[dreg:$0x4] =	wrdreg $0x50800  }
0xb1: {  	[dreg:$0x5] =	wrdreg $0x53000  }
0xb2: {  	[dreg:$0x6] =	wrdreg $0x9  }
0xb3: {  	_ =	task.clear_ibuf [dreg:s7], $0x7FFFF;
	_ =	strace $0x9000004F  }
0xb4: {  	s29 =	simm.s32 $0x9;
	_ =	strace $0x80000051  }
0xb5: {  	_ =	swait.ge [sflag:s29], $0x1  }
0xb6: {  	[sflag:s29] =	ssyncadd.s32 $0xFFFFFFFF  }
0xb7: {  	_ =	strace $0x90000051  }
0xb8: {  	_ =	sfence  }
0xb9: {  	s30 =	sld [smem:$0x0];
	_ =	sdelay $0x2  }
0xba: {  	s31 =	sshll.u32 s1, $0xD;
	s1 =	sshrl.u32 s1, $0x2  }
0xbb: {  	s3 =	sand.u32 $0x4000, s31;
	s1 =	sadd.s32 s1, s30  }
0xbc: {  	s0 =	sor.u32 s3, s0;
	s1 =	sshll.u32 s1, $0x11  }
0xbd: {  	s0 =	sor.u32 s1, s0  }
0xbe: {  	s0 =	sadd.s32 $0x8F2B, s0  }
0xbf: {  	[sflag:s0] =	ssyncadd.remote.s32 $0x1  }
0xc0: {  	_ =	sfence.sel $0xFFFF  }
0xc1: {  	[dreg:$0x0] =	wrdreg $0xFFFFFFFF;
	(pc) =	sbr.abs _section_cstart, $3  }
0xc2: {  	[dreg:$0x1] =	wrdreg $0xFFFFFFFF  }
0xc3: {  	_ =	task.clear_ibuf [dreg:s7], $0x2FFFF;
	_ =	strace $0x9FFFFFFF  }
0xc4: {  	(tm) =	ssettm $0x7FFFFFFF  }
0xc5: {  	_ =	shalt  }
tec
execute0_lowered:
.L_overlay_start_1:
0x0: {  	(tag) =	ssettag $0x1  }
0x1: {  	s5 =	rddreg [dreg:$0x0]  }
0x2: {  	s9 =	rddreg [dreg:$0x1]  }
0x3: {  	s2 =	rddreg [dreg:$0x2]  }
0x4: {  	s3 =	rddreg [dreg:$0x3]  }
0x5: {  	s1 =	stileid.u32;
	s4 =	srdreg.scid  }
0x6: {  	s0 =	rddreg [dreg:$0x4];
	s17 =	simm.s32 $0x5000;
	s18 =	simm.s32 $0x1  }
0x7: {  	s19 =	simm.s32 $0x0;
	s7 =	sand.u32 $0x1, s4;
	s6 =	sshll.u32 s1, $0x1  }
0x8: {  	s4 =	simm.s32 $0x0;
	s8 =	smul.u32 $0x280, s1;
	s30 =	sshll.u32 s1, $0x6  }
0x9: {  	s6 =	sor.u32 s7, s6;
	[smem:$0x7FF] =	sst s4;
	s13 =	smul.u32 $0x2800, s7  }
0xa: {  	s11 =	ssub.s32 $0x2, s7;
	p0 =	seq.s32 s7, $0x1;
	s6 =	smul.u32 $0x500, s6  }
0xb: {  	_ =	strace $0x80000050;
	s10 =	sshrl.u32 s8, $0x3;
	s29 =	sshrl.u32 s11, $0x1  }
0xc: {  	s14 =	sadd.s32 s8, s2;
	s15 =	sadd.s32 s8, s3;
	s10 =	sadd.s32 s10, s5  }
0xd: {  	s11 =	ssub.s32 s11, s29;
	s8 =	sadd.s32 s8, s13;
	s13 =	simm.s32 $0x2  }
0xe: {  	s12 =	sadd.s32 s6, s5;
	s5 =	sadd.s32 $0x15C00, s10;
	s6 =	sor.u32 $0x1C02, s30  }
0xf: {  	s16 =	sadd.s32 $0xB600, s10;
	s31 =	sshrl.u32 s8, $0x3;
	s10 =	smax.u32 s11, $0x1  }
0x10: {  	s7 =	sadd.s32 $0xBC00, s12;
	s8 =	sadd.s32 $0x1600, s12;
	s9 =	sadd.s32 s9, s31  }
0x11: {  	s11 =	smov.u32 s5;
	s12 =	sshrl.u32 s14, $0x3;
	s14 =	sshrl.u32 s15, $0x3  }
0x12: {  	s15 =	simm.s32 $0x2800;
	s11 =	smov.u32 @p0 s16;
	s16 =	simm.s32 $0x80  }
.LBB2_1:
0x13: {  	[spmem:s12], [sflag:s6] =	dma.local [hbm:s5], $0x50  }
0x14: {  	_ =	swait.ge [sflag:s13], $0x50  }
0x15: {  	[sflag:s13] =	ssyncset.done $0x0  }
0x16: {  	[sflag:s13] =	ssyncadd.s32 $0xFFFFFFB0  }
0x17: {  	[spmem:s14], [sflag:s6] =	dma.local [hbm:s11], $0x50  }
0x18: {  	_ =	swait.ge [sflag:s13], $0x50  }
0x19: {  	[sflag:s13] =	ssyncset.done $0x0  }
0x1a: {  	[sflag:s13] =	ssyncadd.s32 $0xFFFFFFB0  }
0x1b: {  	[tilespmem:s4], [sflag:$0x2] =	stream.linear.gather [hbm4b:s7+s4], $0x2800, $0x38;
	[tilespmem:$0x5580] =	vst v63  }
0x1c: {  	_ =	swait.ge [sflag:s13], $0x2800  }
0x1d: {  	[sflag:s13] =	ssyncset.done $0x0  }
0x1e: {  	[sflag:s13] =	ssyncadd.s32 $0xFFFFD800  }
0x1f: {  	[tilespmem:s15], [sflag:$0x2] =	stream.linear.gather [hbm4b:s8+s4], $0x2800, $0x38;
	[tilespmem:$0x5580] =	vst v63  }
0x20: {  	_ =	swait.ge [sflag:s13], $0x2800  }
0x21: {  	[sflag:s13] =	ssyncset.done $0x0  }
0x22: {  	[sflag:s13] =	ssyncadd.s32 $0xFFFFD800  }
0x23: {  	s20 =	simm.s32 $0x0;
	[bflag:$0x0] =	sbarrier.arrive $0xFFFF  }
0x24: {  	[tilespmem:s17], [sflag:$0x1] =	stream.indirect.gather [spmem:s2], $0x1, s20, s16, $0xb8;
	[tilespmem:$0x5580] =	vst v63  }
0x25: {  	_ =	swait.ge [sflag:s18], $0x80  }
0x26: {  	[sflag:s18] =	ssyncset.done $0x0  }
0x27: {  	s31 =	simm.s32 $0x2800;
	[sflag:s18] =	ssyncadd.s32 $0xFFFFFF80  }
0x28: {  	[spmem:s3] =	stream.indirect.scatter.add.f32 [tilespmem:s17], [sflag:$0x2], $0x1, s31, s16, $0xb8;
	[tilespmem:$0x5580] =	vst v63  }
0x29: {  	_ =	swait.ge [sflag:s13], $0x80  }
0x2a: {  	s21 =	simm.s32 $0x400;
	s20 =	simm.s32 $0x200;
	[sflag:s13] =	ssyncset.done $0x0  }
.LBB2_2:
0x2b: {  	s22 =	sshra.s32 s20, $0x2  }
0x2c: {  	[sflag:s13] =	ssyncadd.s32 $0xFFFFFF80;
	s20 =	smov.u32 s21;
	s23 =	sadd.s32 $0x200, s21  }
0x2d: {  	[tilespmem:s17], [sflag:$0x1] =	stream.indirect.gather [spmem:s2], $0x1, s22, s16, $0xb8;
	[tilespmem:$0x5580] =	vst v63  }
0x2e: {  	p0 =	sne.s32 s21, $0x9E00;
	_ =	swait.ge [sflag:s18], $0x80  }
.Ltmp0:
0x2f: {  	[sflag:s18] =	ssyncset.done $0x0;
	(pc) =	sbr.rel @p0 .LBB2_2-.Ltmp0, $4  }
0x30: {  	s21 =	sadd.s32 $0x2800, s22;
	[sflag:s18] =	ssyncadd.s32 $0xFFFFFF80  }
0x31: {  	[spmem:s3] =	stream.indirect.scatter.add.f32 [tilespmem:s17], [sflag:$0x2], $0x1, s21, s16, $0xb8;
	[tilespmem:$0x5580] =	vst v63  }
0x32: {  	_ =	swait.ge [sflag:s13], $0x80  }
0x33: {  	s21 =	smov.u32 s23;
	[sflag:s13] =	ssyncset.done $0x0  }
0x34: {  	s20 =	sshra.s32 s20, $0x2;
	[sflag:s13] =	ssyncadd.s32 $0xFFFFFF80  }
0x35: {  	[tilespmem:s17], [sflag:$0x1] =	stream.indirect.gather [spmem:s2], $0x1, s20, s16, $0xb8;
	[tilespmem:$0x5580] =	vst v63  }
0x36: {  	_ =	swait.ge [sflag:s18], $0x80  }
0x37: {  	[sflag:s18] =	ssyncset.done $0x0  }
0x38: {  	s20 =	sadd.s32 $0x2800, s20;
	[sflag:s18] =	ssyncadd.s32 $0xFFFFFF80  }
0x39: {  	[spmem:s3] =	stream.indirect.scatter.add.f32 [tilespmem:s17], [sflag:$0x2], $0x1, s20, s16, $0xb8;
	[tilespmem:$0x5580] =	vst v63  }
0x3a: {  	_ =	swait.ge [sflag:s13], $0x80  }
0x3b: {  	s19 =	sadd.s32 $0x1, s19;
	[sflag:s13] =	ssyncset.done $0x0  }
0x3c: {  	p0 =	sne.s32 s19, s10;
	[sflag:s13] =	ssyncadd.s32 $0xFFFFFF80  }
.Ltmp1:
0x3d: {  	[bflag:$0x0] =	sbarrier.arrive $0xFFFF;
	(pc) =	sbr.rel @p0 .LBB2_1-.Ltmp1, $4  }
0x3e: {  	[hbm:s9], [sflag:s6] =	dma.local [spmem:s14], $0x50  }
0x3f: {  	_ =	swait.ge [sflag:s13], $0x50  }
0x40: {  	[sflag:s13] =	ssyncset.done $0x0  }
0x41: {  	[sflag:s13] =	ssyncadd.s32 $0xFFFFFFB0  }
0x42: {  	_ =	sfence.sel $0x180000  }
0x43: {  	[bflag:$0x0] =	sbarrier.arrive $0xFFFF  }
0x44: {  	p0 =	sne.s32 s1, $0x0;
	_ =	strace $0x90000050  }
0x45: {  	s0 =	sadd.s32 @!p0 $0x100000, s0;
	[bflag:$0x2] =	sbarrier.arrive $0xFFFF  }
0x46: {  	[sflag:s0] =	ssyncadd.tile.s32 @!p0 $0x1;
	_ =	shalt  }
.Lfunc_end2:
_tile_overlayer_lowered:
.L_overlay_start_2:
0x47: {  	(tag) =	ssettag $0x2  }
0x48: {  	s0 =	rddreg [dreg:$0x0];
	s2 =	stileid.u32  }
0x49: {  	s1 =	rddreg [dreg:$0x1];
	p0 =	sne.s32 s2, $0x0  }
0x4a: {  	s3 =	rddreg [dreg:$0x2];
	[bflag:$0x3] =	sbarrier.arrive $0xFFFF;
	s2 =	simm.s32 @!p0 $0x1C02  }
0x4b: {  	[timem:s3], [sflag:s2] =	dma.local @!p0 [hbm:s0], s1  }
0x4c: {  	s0 =	simm.s32 @!p0 $0x2  }
0x4d: {  	_ =	swait.ge @!p0 [sflag:s0], s1  }
0x4e: {  	s1 =	ssub.s32 @!p0 $0x0, s1;
	[sflag:s0] =	ssyncset.done @!p0 $0x0  }
0x4f: {  	[sflag:s0] =	ssyncadd.s32 @!p0 s1  }
0x50: {  	[bflag:$0x3] =	sbarrier.arrive $0xFFFF  }
0x51: {  	_ =	shalt  }

</sc_bundles>
